<compile_context>
chip_gen: v7x
topology: tpu7x:2x2x1
jax: 0.10.2.dev20260603
libtpu: 0.0.44.dev20260713+nightly
codegen_flags: <defaults>
</compile_context>

<pallas_src>
import functools

import jax
import jax.numpy as jnp
from jax import lax
from jax.experimental import pallas as pl
from jax.experimental.pallas import tpu as pltpu, tpu_sc as plsc

VOCAB_SIZE = 100000
MAX_LEN = 200
EMBED_DIM = 64
BATCH = 4096

_NC = 2
_NS = 16
_NW = _NC * _NS
_GROUPS = BATCH // 16
_CHUNK = 2000
_NCHUNK = VOCAB_SIZE // _CHUNK


def _splat(pos_v, dd, l):
    pvec = pos_v[dd, pl.ds((l // 16) * 16, 16)]
    return lax.gather(
        pvec,
        jnp.full((16, 1), l % 16, jnp.int32),
        lax.GatherDimensionNumbers(offset_dims=(),
                                   collapsed_slice_dims=(0,),
                                   start_index_map=(0,)),
        (1,),
        mode=lax.GatherScatterMode.PROMISE_IN_BOUNDS)


def _body(xt_hbm, tokt_hbm, post_hbm, out_hbm,
          row_v, idx_v, out_v, pos_v, sem_i, sem_o):
    wid = lax.axis_index("s") * _NC + lax.axis_index("c")
    d0 = 2 * wid

    pltpu.sync_copy(post_hbm.at[d0], pos_v.at[0, pl.ds(0, MAX_LEN)])
    pltpu.sync_copy(post_hbm.at[d0 + 1], pos_v.at[1, pl.ds(0, MAX_LEN)])

    def fire_chunk(c, q):
        for dd in range(2):
            pltpu.async_copy(
                tokt_hbm.at[d0 + dd, pl.ds(c * _CHUNK, _CHUNK)],
                idx_v.at[dd, pl.ds(q * (BATCH // 2), _CHUNK)], sem_i)

    def drain_chunk(c, q):
        for dd in range(2):
            pltpu.make_async_copy(
                tokt_hbm.at[d0 + dd, pl.ds(c * _CHUNK, _CHUNK)],
                idx_v.at[dd, pl.ds(q * (BATCH // 2), _CHUNK)], sem_i).wait()

    fire_chunk(0, 0)

    def pack_chunk(c, carry):
        q = c % 2
        drain_chunk(c, q)

        @pl.when(c + 1 < _NCHUNK)
        def _():
            fire_chunk(c + 1, 1 - q)

        @plsc.parallel_loop(0, _CHUNK // 16, unroll=8)
        def pk(g):
            base = q * (BATCH // 2) + g * 16
            a = plsc.bitcast(idx_v[0, pl.ds(base, 16)], jnp.float32)
            b = plsc.bitcast(idx_v[1, pl.ds(base, 16)], jnp.float32)
            packed = plsc.pack(a, b, format=plsc.PackFormat.INTERLEAVED)
            row_v[pl.ds(c * _CHUNK + g * 16, 16)] = plsc.bitcast(
                packed, jnp.int32)

        return carry

    lax.fori_loop(0, _NCHUNK, pack_chunk, 0)

    def fire_idx(l):
        pltpu.async_copy(xt_hbm.at[l], idx_v.at[l % 3], sem_i)

    def drain_idx(l):
        pltpu.make_async_copy(xt_hbm.at[l], idx_v.at[l % 3], sem_i).wait()

    def out_dst(l):
        return out_hbm.at[l, d0 // 8, :, pl.ds(d0 % 8, 2), :]

    def fire_out(l, slot):
        pltpu.async_copy(out_v.at[slot], out_dst(l), sem_o)

    def drain_out(l, slot):
        pltpu.make_async_copy(out_v.at[slot], out_dst(l), sem_o).wait()

    fire_idx(0)
    fire_idx(1)

    def do_l(l, carry):
        slot = l % 2
        drain_idx(l)

        @pl.when(l + 2 < MAX_LEN)
        def _():
            fire_idx(l + 2)

        @pl.when(l >= 2)
        def _():
            drain_out(l - 2, slot)

        pos_b0 = _splat(pos_v, 0, l)
        pos_b1 = _splat(pos_v, 1, l)
        islot = l % 3

        @plsc.parallel_loop(0, _GROUPS, unroll=8)
        def gath(g):
            iv = idx_v[islot, pl.ds(g * 16, 16)]
            pk = plsc.load_gather(row_v, [iv])
            a, b = plsc.unpack(plsc.bitcast(pk, jnp.bfloat16),
                               format=plsc.PackFormat.INTERLEAVED,
                               preferred_element_type=jnp.float32)
            out_v[slot, g // 8, 0, pl.ds((g % 8) * 16, 16)] = a + pos_b0
            out_v[slot, g // 8, 1, pl.ds((g % 8) * 16, 16)] = b + pos_b1

        fire_out(l, slot)
        return carry

    lax.fori_loop(0, MAX_LEN, do_l, 0)
    drain_out(MAX_LEN - 2, 0)
    drain_out(MAX_LEN - 1, 1)


@jax.jit
def kernel(x, token_emb, pos_emb):
    xt = x.astype(jnp.int32).T
    tokt = jax.lax.bitcast_convert_type(token_emb, jnp.int32).T
    post = pos_emb.T
    mesh = plsc.VectorSubcoreMesh(core_axis_name="c", subcore_axis_name="s")
    k = functools.partial(
        pl.kernel,
        out_type=jax.ShapeDtypeStruct(
            (MAX_LEN, EMBED_DIM // 8, BATCH // 128, 8, 128), jnp.float32),
        mesh=mesh,
        scratch_types=[
            pltpu.VMEM((VOCAB_SIZE,), jnp.int32),
            pltpu.VMEM((3, BATCH), jnp.int32),
            pltpu.VMEM((2, BATCH // 128, 2, 128), jnp.float32),
            pltpu.VMEM((2, 256), jnp.float32),
            pltpu.SemaphoreType.DMA,
            pltpu.SemaphoreType.DMA,
        ],
        compiler_params=pltpu.CompilerParams(use_tc_tiling_on_sc=False,
                                             needs_layout_passes=False),
    )(_body)
    out5 = k(xt, tokt, post)
    out_t = out5.transpose(0, 1, 3, 2, 4).reshape(MAX_LEN, EMBED_DIM, BATCH)
    return out_t.transpose(2, 0, 1)

# --- scband reference (transcript-rebuilt; emitter-appended) ---
"""Pipeline reference for scband-token-and-position-embedding-712964571261 (READ-ONLY COPY).

The authoritative reference and input builder live on the scoring server;
editing this copy changes nothing except your own understanding.
"""

import jax, jax.numpy as jnp
import numpy as np

VOCAB_SIZE = 100000
MAX_LEN = 200
EMBED_DIM = 64
BATCH = 4096

def setup_inputs(seed: int = 0) -> dict:
    key = jax.random.key(seed)
    k1, k2, k3 = jax.random.split(key, 3)
    x = jax.random.randint(k1, (BATCH, MAX_LEN), 0, VOCAB_SIZE, dtype=jnp.int64 if jax.config.jax_enable_x64 else jnp.int32)
    token_emb = jax.random.normal(k2, (VOCAB_SIZE, EMBED_DIM), dtype=jnp.float32) * 0.02
    pos_emb = jax.random.normal(k3, (MAX_LEN, EMBED_DIM), dtype=jnp.float32) * 0.02
    return {"x": x, "token_emb": token_emb, "pos_emb": pos_emb}

def reference(x, token_emb, pos_emb):
    # positions = arange(seq_len); pos_emb lookup; token lookup; sum
    seq_len = x.shape[1]
    positions = jnp.arange(seq_len)
    pos = jnp.take(pos_emb, positions, axis=0)[None, :, :]  # [1, L, D]
    tok = jnp.take(token_emb, x, axis=0)  # [B, L, D]
    return tok + pos

if __name__ == "__main__":
    import jax
    _d = setup_inputs()
    print(jax.jit(kernel)(*tuple(_d.values())))

</pallas_src>

<mosaic_0001>
#map = affine_map<(d0, d1) -> (0, 0)>
#map1 = affine_map<(d0, d1) -> (0, 0, 0, 0, 0)>
module attributes {stable_mosaic.version = 14 : i64} {
  func.func @_body(%arg0: i32, %arg1: i32, %arg2: memref<200x4096xi32, #tpu.memory_space<hbm>>, %arg3: memref<64x100000xi32, #tpu.memory_space<hbm>>, %arg4: memref<64x200xf32, #tpu.memory_space<hbm>>, %arg5: memref<200x8x32x8x128xf32, #tpu.memory_space<hbm>>, %arg6: memref<100000xi32, #tpu.memory_space<vmem>>, %arg7: memref<3x4096xi32, #tpu.memory_space<vmem>>, %arg8: memref<2x32x2x128xf32, #tpu.memory_space<vmem>>, %arg9: memref<2x256xf32, #tpu.memory_space<vmem>>, %arg10: memref<!tpu.dma_semaphore, #tpu.memory_space<semaphore_mem>>, %arg11: memref<!tpu.dma_semaphore, #tpu.memory_space<semaphore_mem>>) attributes {dimension_semantics = [#tpu.dimension_semantics<core_parallel>, #tpu.dimension_semantics<subcore_parallel>], iteration_bounds = array<i64: 2, 16>, scalar_prefetch = 0 : i64, scratch_operands = 6 : i64, tpu.core_type = #tpu.core_type<sc_vector_subcore>, window_params = [{transform_indices = #map}, {transform_indices = #map}, {transform_indices = #map}, {transform_indices = #map1}]} {
    %mul3A = arith.constant 2 : i32
    %mul3A_0 = arith.muli %arg1, %mul3A : i32
    %add3A = arith.addi %mul3A_0, %arg0 : i32
    %mul3A_1 = arith.constant 2 : i32
    %mul3A_2 = arith.muli %mul3A_1, %add3A : i32
    %run_scoped3A = arith.constant 0 : i32
    "tpu.region"() ({
      %run_scoped3A_183 = tpu.sem_alloc : memref<!tpu.dma_semaphore, #tpu.memory_space<semaphore_mem>>
      %dma_start3A_184 = arith.constant 0 : i32
      %dma_start3A_185 = tpu.memref_slice %arg9[%run_scoped3A, %dma_start3A_184] : memref<2x256xf32, #tpu.memory_space<vmem>> -> memref<1x200xf32, #tpu.memory_space<vmem>>
      %dma_start3A_186 = tpu.memref_squeeze %dma_start3A_185 : memref<1x200xf32, #tpu.memory_space<vmem>> -> memref<200xf32, #tpu.memory_space<vmem>>
      %dma_start3A_187 = arith.constant 0 : i32
      %dma_start3A_188 = tpu.memref_slice %arg4[%mul3A_2, %dma_start3A_187] : memref<64x200xf32, #tpu.memory_space<hbm>> -> memref<1x200xf32, #tpu.memory_space<hbm>>
      %dma_start3A_189 = tpu.memref_squeeze %dma_start3A_188 : memref<1x200xf32, #tpu.memory_space<hbm>> -> memref<200xf32, #tpu.memory_space<hbm>>
      %dma_start3A_190 = arith.constant 0 : i32
      %dma_start3A_191 = tpu.memref_slice %arg9[%run_scoped3A, %dma_start3A_190] : memref<2x256xf32, #tpu.memory_space<vmem>> -> memref<1x200xf32, #tpu.memory_space<vmem>>
      %dma_start3A_192 = tpu.memref_squeeze %dma_start3A_191 : memref<1x200xf32, #tpu.memory_space<vmem>> -> memref<200xf32, #tpu.memory_space<vmem>>
      %dma_start3A_193 = arith.constant 0 : i32
      %dma_start3A_194 = tpu.memref_slice %arg4[%mul3A_2, %dma_start3A_193] : memref<64x200xf32, #tpu.memory_space<hbm>> -> memref<1x200xf32, #tpu.memory_space<hbm>>
      %dma_start3A_195 = tpu.memref_squeeze %dma_start3A_194 : memref<1x200xf32, #tpu.memory_space<hbm>> -> memref<200xf32, #tpu.memory_space<hbm>>
      tpu.enqueue_dma source(%dma_start3A_195 : memref<200xf32, #tpu.memory_space<hbm>>) target(%dma_start3A_192 : memref<200xf32, #tpu.memory_space<vmem>>) target_semaphore(%run_scoped3A_183 : memref<!tpu.dma_semaphore, #tpu.memory_space<semaphore_mem>>)
      %dma_wait3A_196 = arith.constant 0 : i32
      %dma_wait3A_197 = tpu.memref_slice %arg9[%run_scoped3A, %dma_wait3A_196] : memref<2x256xf32, #tpu.memory_space<vmem>> -> memref<1x200xf32, #tpu.memory_space<vmem>>
      %dma_wait3A_198 = tpu.memref_squeeze %dma_wait3A_197 : memref<1x200xf32, #tpu.memory_space<vmem>> -> memref<200xf32, #tpu.memory_space<vmem>>
      %dma_wait3A_199 = arith.constant 0 : i32
      %dma_wait3A_200 = tpu.memref_slice %arg4[%mul3A_2, %dma_wait3A_199] : memref<64x200xf32, #tpu.memory_space<hbm>> -> memref<1x200xf32, #tpu.memory_space<hbm>>
      %dma_wait3A_201 = tpu.memref_squeeze %dma_wait3A_200 : memref<1x200xf32, #tpu.memory_space<hbm>> -> memref<200xf32, #tpu.memory_space<hbm>>
      %dma_wait3A_202 = arith.constant 0 : i32
      %dma_wait3A_203 = tpu.memref_slice %arg9[%run_scoped3A, %dma_wait3A_202] : memref<2x256xf32, #tpu.memory_space<vmem>> -> memref<1x200xf32, #tpu.memory_space<vmem>>
      %dma_wait3A_204 = tpu.memref_squeeze %dma_wait3A_203 : memref<1x200xf32, #tpu.memory_space<vmem>> -> memref<200xf32, #tpu.memory_space<vmem>>
      %dma_wait3A_205 = arith.constant 0 : i32
      %dma_wait3A_206 = tpu.memref_slice %arg4[%mul3A_2, %dma_wait3A_205] : memref<64x200xf32, #tpu.memory_space<hbm>> -> memref<1x200xf32, #tpu.memory_space<hbm>>
      %dma_wait3A_207 = tpu.memref_squeeze %dma_wait3A_206 : memref<1x200xf32, #tpu.memory_space<hbm>> -> memref<200xf32, #tpu.memory_space<hbm>>
      tpu.wait_dma2 semaphore(%run_scoped3A_183 : memref<!tpu.dma_semaphore, #tpu.memory_space<semaphore_mem>>) src(%dma_wait3A_207 : memref<200xf32, #tpu.memory_space<hbm>>) dst(%dma_wait3A_204 : memref<200xf32, #tpu.memory_space<vmem>>)
      tpu.yield
    }) : () -> ()
    %add3A_3 = arith.constant 1 : i32
    %add3A_4 = arith.addi %mul3A_2, %add3A_3 : i32
    %run_scoped3A_5 = arith.constant 1 : i32
    "tpu.region"() ({
      %run_scoped3A_183 = tpu.sem_alloc : memref<!tpu.dma_semaphore, #tpu.memory_space<semaphore_mem>>
      %dma_start3A_184 = arith.constant 0 : i32
      %dma_start3A_185 = tpu.memref_slice %arg9[%run_scoped3A_5, %dma_start3A_184] : memref<2x256xf32, #tpu.memory_space<vmem>> -> memref<1x200xf32, #tpu.memory_space<vmem>>
      %dma_start3A_186 = tpu.memref_squeeze %dma_start3A_185 : memref<1x200xf32, #tpu.memory_space<vmem>> -> memref<200xf32, #tpu.memory_space<vmem>>
      %dma_start3A_187 = arith.constant 0 : i32
      %dma_start3A_188 = tpu.memref_slice %arg4[%add3A_4, %dma_start3A_187] : memref<64x200xf32, #tpu.memory_space<hbm>> -> memref<1x200xf32, #tpu.memory_space<hbm>>
      %dma_start3A_189 = tpu.memref_squeeze %dma_start3A_188 : memref<1x200xf32, #tpu.memory_space<hbm>> -> memref<200xf32, #tpu.memory_space<hbm>>
      %dma_start3A_190 = arith.constant 0 : i32
      %dma_start3A_191 = tpu.memref_slice %arg9[%run_scoped3A_5, %dma_start3A_190] : memref<2x256xf32, #tpu.memory_space<vmem>> -> memref<1x200xf32, #tpu.memory_space<vmem>>
      %dma_start3A_192 = tpu.memref_squeeze %dma_start3A_191 : memref<1x200xf32, #tpu.memory_space<vmem>> -> memref<200xf32, #tpu.memory_space<vmem>>
      %dma_start3A_193 = arith.constant 0 : i32
      %dma_start3A_194 = tpu.memref_slice %arg4[%add3A_4, %dma_start3A_193] : memref<64x200xf32, #tpu.memory_space<hbm>> -> memref<1x200xf32, #tpu.memory_space<hbm>>
      %dma_start3A_195 = tpu.memref_squeeze %dma_start3A_194 : memref<1x200xf32, #tpu.memory_space<hbm>> -> memref<200xf32, #tpu.memory_space<hbm>>
      tpu.enqueue_dma source(%dma_start3A_195 : memref<200xf32, #tpu.memory_space<hbm>>) target(%dma_start3A_192 : memref<200xf32, #tpu.memory_space<vmem>>) target_semaphore(%run_scoped3A_183 : memref<!tpu.dma_semaphore, #tpu.memory_space<semaphore_mem>>)
      %dma_wait3A_196 = arith.constant 0 : i32
      %dma_wait3A_197 = tpu.memref_slice %arg9[%run_scoped3A_5, %dma_wait3A_196] : memref<2x256xf32, #tpu.memory_space<vmem>> -> memref<1x200xf32, #tpu.memory_space<vmem>>
      %dma_wait3A_198 = tpu.memref_squeeze %dma_wait3A_197 : memref<1x200xf32, #tpu.memory_space<vmem>> -> memref<200xf32, #tpu.memory_space<vmem>>
      %dma_wait3A_199 = arith.constant 0 : i32
      %dma_wait3A_200 = tpu.memref_slice %arg4[%add3A_4, %dma_wait3A_199] : memref<64x200xf32, #tpu.memory_space<hbm>> -> memref<1x200xf32, #tpu.memory_space<hbm>>
      %dma_wait3A_201 = tpu.memref_squeeze %dma_wait3A_200 : memref<1x200xf32, #tpu.memory_space<hbm>> -> memref<200xf32, #tpu.memory_space<hbm>>
      %dma_wait3A_202 = arith.constant 0 : i32
      %dma_wait3A_203 = tpu.memref_slice %arg9[%run_scoped3A_5, %dma_wait3A_202] : memref<2x256xf32, #tpu.memory_space<vmem>> -> memref<1x200xf32, #tpu.memory_space<vmem>>
      %dma_wait3A_204 = tpu.memref_squeeze %dma_wait3A_203 : memref<1x200xf32, #tpu.memory_space<vmem>> -> memref<200xf32, #tpu.memory_space<vmem>>
      %dma_wait3A_205 = arith.constant 0 : i32
      %dma_wait3A_206 = tpu.memref_slice %arg4[%add3A_4, %dma_wait3A_205] : memref<64x200xf32, #tpu.memory_space<hbm>> -> memref<1x200xf32, #tpu.memory_space<hbm>>
      %dma_wait3A_207 = tpu.memref_squeeze %dma_wait3A_206 : memref<1x200xf32, #tpu.memory_space<hbm>> -> memref<200xf32, #tpu.memory_space<hbm>>
      tpu.wait_dma2 semaphore(%run_scoped3A_183 : memref<!tpu.dma_semaphore, #tpu.memory_space<semaphore_mem>>) src(%dma_wait3A_207 : memref<200xf32, #tpu.memory_space<hbm>>) dst(%dma_wait3A_204 : memref<200xf32, #tpu.memory_space<vmem>>)
      tpu.yield
    }) : () -> ()
    %add3A_6 = arith.constant 0 : i32
    %add3A_7 = arith.addi %mul3A_2, %add3A_6 : i32
    %dma_start3A = arith.constant 0 : i32
    %dma_start3A_8 = arith.constant 0 : i32
    %dma_start3A_9 = tpu.memref_slice %arg7[%dma_start3A, %dma_start3A_8] : memref<3x4096xi32, #tpu.memory_space<vmem>> -> memref<1x2000xi32, #tpu.memory_space<vmem>>
    %dma_start3A_10 = tpu.memref_squeeze %dma_start3A_9 : memref<1x2000xi32, #tpu.memory_space<vmem>> -> memref<2000xi32, #tpu.memory_space<vmem>>
    %dma_start3A_11 = arith.constant 0 : i32
    %dma_start3A_12 = tpu.memref_slice %arg3[%add3A_7, %dma_start3A_11] : memref<64x100000xi32, #tpu.memory_space<hbm>> -> memref<1x2000xi32, #tpu.memory_space<hbm>>
    %dma_start3A_13 = tpu.memref_squeeze %dma_start3A_12 : memref<1x2000xi32, #tpu.memory_space<hbm>> -> memref<2000xi32, #tpu.memory_space<hbm>>
    %dma_start3A_14 = arith.constant 0 : i32
    %dma_start3A_15 = tpu.memref_slice %arg7[%dma_start3A, %dma_start3A_14] : memref<3x4096xi32, #tpu.memory_space<vmem>> -> memref<1x2000xi32, #tpu.memory_space<vmem>>
    %dma_start3A_16 = tpu.memref_squeeze %dma_start3A_15 : memref<1x2000xi32, #tpu.memory_space<vmem>> -> memref<2000xi32, #tpu.memory_space<vmem>>
    %dma_start3A_17 = arith.constant 0 : i32
    %dma_start3A_18 = tpu.memref_slice %arg3[%add3A_7, %dma_start3A_17] : memref<64x100000xi32, #tpu.memory_space<hbm>> -> memref<1x2000xi32, #tpu.memory_space<hbm>>
    %dma_start3A_19 = tpu.memref_squeeze %dma_start3A_18 : memref<1x2000xi32, #tpu.memory_space<hbm>> -> memref<2000xi32, #tpu.memory_space<hbm>>
    tpu.enqueue_dma source(%dma_start3A_19 : memref<2000xi32, #tpu.memory_space<hbm>>) target(%dma_start3A_16 : memref<2000xi32, #tpu.memory_space<vmem>>) target_semaphore(%arg10 : memref<!tpu.dma_semaphore, #tpu.memory_space<semaphore_mem>>)
    %add3A_20 = arith.constant 1 : i32
    %add3A_21 = arith.addi %mul3A_2, %add3A_20 : i32
    %dma_start3A_22 = arith.constant 1 : i32
    %dma_start3A_23 = arith.constant 0 : i32
    %dma_start3A_24 = tpu.memref_slice %arg7[%dma_start3A_22, %dma_start3A_23] : memref<3x4096xi32, #tpu.memory_space<vmem>> -> memref<1x2000xi32, #tpu.memory_space<vmem>>
    %dma_start3A_25 = tpu.memref_squeeze %dma_start3A_24 : memref<1x2000xi32, #tpu.memory_space<vmem>> -> memref<2000xi32, #tpu.memory_space<vmem>>
    %dma_start3A_26 = arith.constant 0 : i32
    %dma_start3A_27 = tpu.memref_slice %arg3[%add3A_21, %dma_start3A_26] : memref<64x100000xi32, #tpu.memory_space<hbm>> -> memref<1x2000xi32, #tpu.memory_space<hbm>>
    %dma_start3A_28 = tpu.memref_squeeze %dma_start3A_27 : memref<1x2000xi32, #tpu.memory_space<hbm>> -> memref<2000xi32, #tpu.memory_space<hbm>>
    %dma_start3A_29 = arith.constant 0 : i32
    %dma_start3A_30 = tpu.memref_slice %arg7[%dma_start3A_22, %dma_start3A_29] : memref<3x4096xi32, #tpu.memory_space<vmem>> -> memref<1x2000xi32, #tpu.memory_space<vmem>>
    %dma_start3A_31 = tpu.memref_squeeze %dma_start3A_30 : memref<1x2000xi32, #tpu.memory_space<vmem>> -> memref<2000xi32, #tpu.memory_space<vmem>>
    %dma_start3A_32 = arith.constant 0 : i32
    %dma_start3A_33 = tpu.memref_slice %arg3[%add3A_21, %dma_start3A_32] : memref<64x100000xi32, #tpu.memory_space<hbm>> -> memref<1x2000xi32, #tpu.memory_space<hbm>>
    %dma_start3A_34 = tpu.memref_squeeze %dma_start3A_33 : memref<1x2000xi32, #tpu.memory_space<hbm>> -> memref<2000xi32, #tpu.memory_space<hbm>>
    tpu.enqueue_dma source(%dma_start3A_34 : memref<2000xi32, #tpu.memory_space<hbm>>) target(%dma_start3A_31 : memref<2000xi32, #tpu.memory_space<vmem>>) target_semaphore(%arg10 : memref<!tpu.dma_semaphore, #tpu.memory_space<semaphore_mem>>)
    %scan3A = arith.constant 0 : i32
    %scan3A_35 = arith.constant 0 : i32
    %scan3A_36 = arith.constant 50 : i32
    %scan3A_37 = arith.addi %scan3A_35, %scan3A_36 : i32
    %scan3A_38 = arith.constant 1 : i32
    scf.for %scan3A_183 = %scan3A_35 to %scan3A_37 step %scan3A_38  : i32 {
      %jit3A_184 = arith.constant 2 : i32
      %eq3A_185 = arith.constant 0 : i32
      %eq3A_186 = arith.cmpi eq, %jit3A_184, %eq3A_185 : i32
      %jit3A_187 = arith.constant 1 : i32
      %select_n3A_188 = arith.select %eq3A_186, %jit3A_187, %jit3A_184 : i32
      %rem3A_189 = arith.remsi %scan3A_183, %select_n3A_188 : i32
      %ne3A_190 = arith.constant 0 : i32
      %ne3A_191 = arith.cmpi ne, %rem3A_189, %ne3A_190 : i32
      %lt3A_192 = arith.constant 0 : i32
      %lt3A_193 = arith.cmpi slt, %rem3A_189, %lt3A_192 : i32
      %lt3A_194 = arith.constant 0 : i32
      %lt3A_195 = arith.cmpi slt, %select_n3A_188, %lt3A_194 : i32
      %ne3A_196 = arith.xori %lt3A_193, %lt3A_195 : i1
      %and3A_197 = arith.andi %ne3A_196, %ne3A_191 : i1
      %add3A_198 = arith.addi %rem3A_189, %select_n3A_188 : i32
      %select_n3A_199 = arith.select %and3A_197, %add3A_198, %rem3A_189 : i32
      %add3A_200 = arith.constant 0 : i32
      %add3A_201 = arith.addi %mul3A_2, %add3A_200 : i32
      %mul3A_202 = arith.constant 2000 : i32
      %mul3A_203 = arith.muli %scan3A_183, %mul3A_202 : i32
      %mul3A_204 = arith.constant 2048 : i32
      %mul3A_205 = arith.muli %select_n3A_199, %mul3A_204 : i32
      %dma_wait3A_206 = arith.constant 0 : i32
      %dma_wait3A_207 = tpu.memref_slice %arg7[%dma_wait3A_206, %mul3A_205] : memref<3x4096xi32, #tpu.memory_space<vmem>> -> memref<1x2000xi32, #tpu.memory_space<vmem>>
      %dma_wait3A_208 = tpu.memref_squeeze %dma_wait3A_207 : memref<1x2000xi32, #tpu.memory_space<vmem>> -> memref<2000xi32, #tpu.memory_space<vmem>>
      %dma_wait3A_209 = tpu.memref_slice %arg3[%add3A_201, %mul3A_203] : memref<64x100000xi32, #tpu.memory_space<hbm>> -> memref<1x2000xi32, #tpu.memory_space<hbm>>
      %dma_wait3A_210 = tpu.memref_squeeze %dma_wait3A_209 : memref<1x2000xi32, #tpu.memory_space<hbm>> -> memref<2000xi32, #tpu.memory_space<hbm>>
      %dma_wait3A_211 = tpu.memref_slice %arg7[%dma_wait3A_206, %mul3A_205] : memref<3x4096xi32, #tpu.memory_space<vmem>> -> memref<1x2000xi32, #tpu.memory_space<vmem>>
      %dma_wait3A_212 = tpu.memref_squeeze %dma_wait3A_211 : memref<1x2000xi32, #tpu.memory_space<vmem>> -> memref<2000xi32, #tpu.memory_space<vmem>>
      %dma_wait3A_213 = tpu.memref_slice %arg3[%add3A_201, %mul3A_203] : memref<64x100000xi32, #tpu.memory_space<hbm>> -> memref<1x2000xi32, #tpu.memory_space<hbm>>
      %dma_wait3A_214 = tpu.memref_squeeze %dma_wait3A_213 : memref<1x2000xi32, #tpu.memory_space<hbm>> -> memref<2000xi32, #tpu.memory_space<hbm>>
      tpu.wait_dma2 semaphore(%arg10 : memref<!tpu.dma_semaphore, #tpu.memory_space<semaphore_mem>>) src(%dma_wait3A_214 : memref<2000xi32, #tpu.memory_space<hbm>>) dst(%dma_wait3A_212 : memref<2000xi32, #tpu.memory_space<vmem>>)
      %add3A_215 = arith.constant 1 : i32
      %add3A_216 = arith.addi %mul3A_2, %add3A_215 : i32
      %mul3A_217 = arith.constant 2000 : i32
      %mul3A_218 = arith.muli %scan3A_183, %mul3A_217 : i32
      %mul3A_219 = arith.constant 2048 : i32
      %mul3A_220 = arith.muli %select_n3A_199, %mul3A_219 : i32
      %dma_wait3A_221 = arith.constant 1 : i32
      %dma_wait3A_222 = tpu.memref_slice %arg7[%dma_wait3A_221, %mul3A_220] : memref<3x4096xi32, #tpu.memory_space<vmem>> -> memref<1x2000xi32, #tpu.memory_space<vmem>>
      %dma_wait3A_223 = tpu.memref_squeeze %dma_wait3A_222 : memref<1x2000xi32, #tpu.memory_space<vmem>> -> memref<2000xi32, #tpu.memory_space<vmem>>
      %dma_wait3A_224 = tpu.memref_slice %arg3[%add3A_216, %mul3A_218] : memref<64x100000xi32, #tpu.memory_space<hbm>> -> memref<1x2000xi32, #tpu.memory_space<hbm>>
      %dma_wait3A_225 = tpu.memref_squeeze %dma_wait3A_224 : memref<1x2000xi32, #tpu.memory_space<hbm>> -> memref<2000xi32, #tpu.memory_space<hbm>>
      %dma_wait3A_226 = tpu.memref_slice %arg7[%dma_wait3A_221, %mul3A_220] : memref<3x4096xi32, #tpu.memory_space<vmem>> -> memref<1x2000xi32, #tpu.memory_space<vmem>>
      %dma_wait3A_227 = tpu.memref_squeeze %dma_wait3A_226 : memref<1x2000xi32, #tpu.memory_space<vmem>> -> memref<2000xi32, #tpu.memory_space<vmem>>
      %dma_wait3A_228 = tpu.memref_slice %arg3[%add3A_216, %mul3A_218] : memref<64x100000xi32, #tpu.memory_space<hbm>> -> memref<1x2000xi32, #tpu.memory_space<hbm>>
      %dma_wait3A_229 = tpu.memref_squeeze %dma_wait3A_228 : memref<1x2000xi32, #tpu.memory_space<hbm>> -> memref<2000xi32, #tpu.memory_space<hbm>>
      tpu.wait_dma2 semaphore(%arg10 : memref<!tpu.dma_semaphore, #tpu.memory_space<semaphore_mem>>) src(%dma_wait3A_229 : memref<2000xi32, #tpu.memory_space<hbm>>) dst(%dma_wait3A_227 : memref<2000xi32, #tpu.memory_space<vmem>>)
      %add3A_230 = arith.constant 1 : i32
      %add3A_231 = arith.addi %scan3A_183, %add3A_230 : i32
      %lt3A_232 = arith.constant 50 : i32
      %lt3A_233 = arith.cmpi slt, %add3A_231, %lt3A_232 : i32
      %convert_element_type3A = arith.extui %lt3A_233 : i1 to i32
      %cond3A = arith.constant 0 : i32
      %cond3A_234 = arith.cmpi ne, %convert_element_type3A, %cond3A : i32
      scf.if %cond3A_234 {
        %add3A_237 = arith.constant 1 : i32
        %add3A_238 = arith.addi %scan3A_183, %add3A_237 : i32
        %sub3A_239 = arith.constant 1 : i32
        %sub3A_240 = arith.subi %sub3A_239, %select_n3A_199 : i32
        %add3A_241 = arith.constant 0 : i32
        %add3A_242 = arith.addi %mul3A_2, %add3A_241 : i32
        %mul3A_243 = arith.constant 2000 : i32
        %mul3A_244 = arith.muli %add3A_238, %mul3A_243 : i32
        %mul3A_245 = arith.constant 2048 : i32
        %mul3A_246 = arith.muli %sub3A_240, %mul3A_245 : i32
        %dma_start3A_247 = arith.constant 0 : i32
        %dma_start3A_248 = tpu.memref_slice %arg7[%dma_start3A_247, %mul3A_246] : memref<3x4096xi32, #tpu.memory_space<vmem>> -> memref<1x2000xi32, #tpu.memory_space<vmem>>
        %dma_start3A_249 = tpu.memref_squeeze %dma_start3A_248 : memref<1x2000xi32, #tpu.memory_space<vmem>> -> memref<2000xi32, #tpu.memory_space<vmem>>
        %dma_start3A_250 = tpu.memref_slice %arg3[%add3A_242, %mul3A_244] : memref<64x100000xi32, #tpu.memory_space<hbm>> -> memref<1x2000xi32, #tpu.memory_space<hbm>>
        %dma_start3A_251 = tpu.memref_squeeze %dma_start3A_250 : memref<1x2000xi32, #tpu.memory_space<hbm>> -> memref<2000xi32, #tpu.memory_space<hbm>>
        %dma_start3A_252 = tpu.memref_slice %arg7[%dma_start3A_247, %mul3A_246] : memref<3x4096xi32, #tpu.memory_space<vmem>> -> memref<1x2000xi32, #tpu.memory_space<vmem>>
        %dma_start3A_253 = tpu.memref_squeeze %dma_start3A_252 : memref<1x2000xi32, #tpu.memory_space<vmem>> -> memref<2000xi32, #tpu.memory_space<vmem>>
        %dma_start3A_254 = tpu.memref_slice %arg3[%add3A_242, %mul3A_244] : memref<64x100000xi32, #tpu.memory_space<hbm>> -> memref<1x2000xi32, #tpu.memory_space<hbm>>
        %dma_start3A_255 = tpu.memref_squeeze %dma_start3A_254 : memref<1x2000xi32, #tpu.memory_space<hbm>> -> memref<2000xi32, #tpu.memory_space<hbm>>
        tpu.enqueue_dma source(%dma_start3A_255 : memref<2000xi32, #tpu.memory_space<hbm>>) target(%dma_start3A_253 : memref<2000xi32, #tpu.memory_space<vmem>>) target_semaphore(%arg10 : memref<!tpu.dma_semaphore, #tpu.memory_space<semaphore_mem>>)
        %add3A_256 = arith.constant 1 : i32
        %add3A_257 = arith.addi %mul3A_2, %add3A_256 : i32
        %mul3A_258 = arith.constant 2000 : i32
        %mul3A_259 = arith.muli %add3A_238, %mul3A_258 : i32
        %mul3A_260 = arith.constant 2048 : i32
        %mul3A_261 = arith.muli %sub3A_240, %mul3A_260 : i32
        %dma_start3A_262 = arith.constant 1 : i32
        %dma_start3A_263 = tpu.memref_slice %arg7[%dma_start3A_262, %mul3A_261] : memref<3x4096xi32, #tpu.memory_space<vmem>> -> memref<1x2000xi32, #tpu.memory_space<vmem>>
        %dma_start3A_264 = tpu.memref_squeeze %dma_start3A_263 : memref<1x2000xi32, #tpu.memory_space<vmem>> -> memref<2000xi32, #tpu.memory_space<vmem>>
        %dma_start3A_265 = tpu.memref_slice %arg3[%add3A_257, %mul3A_259] : memref<64x100000xi32, #tpu.memory_space<hbm>> -> memref<1x2000xi32, #tpu.memory_space<hbm>>
        %dma_start3A_266 = tpu.memref_squeeze %dma_start3A_265 : memref<1x2000xi32, #tpu.memory_space<hbm>> -> memref<2000xi32, #tpu.memory_space<hbm>>
        %dma_start3A_267 = tpu.memref_slice %arg7[%dma_start3A_262, %mul3A_261] : memref<3x4096xi32, #tpu.memory_space<vmem>> -> memref<1x2000xi32, #tpu.memory_space<vmem>>
        %dma_start3A_268 = tpu.memref_squeeze %dma_start3A_267 : memref<1x2000xi32, #tpu.memory_space<vmem>> -> memref<2000xi32, #tpu.memory_space<vmem>>
        %dma_start3A_269 = tpu.memref_slice %arg3[%add3A_257, %mul3A_259] : memref<64x100000xi32, #tpu.memory_space<hbm>> -> memref<1x2000xi32, #tpu.memory_space<hbm>>
        %dma_start3A_270 = tpu.memref_squeeze %dma_start3A_269 : memref<1x2000xi32, #tpu.memory_space<hbm>> -> memref<2000xi32, #tpu.memory_space<hbm>>
        tpu.enqueue_dma source(%dma_start3A_270 : memref<2000xi32, #tpu.memory_space<hbm>>) target(%dma_start3A_268 : memref<2000xi32, #tpu.memory_space<vmem>>) target_semaphore(%arg10 : memref<!tpu.dma_semaphore, #tpu.memory_space<semaphore_mem>>)
      } else {
      }
      %parallel_loop3A = arith.constant 0 : i32
      %parallel_loop3A_235 = arith.constant 125 : i32
      %parallel_loop3A_236 = arith.constant 1 : i32
      scf.for %parallel_loop3A_237 = %parallel_loop3A to %parallel_loop3A_235 step %parallel_loop3A_236  : i32 {
        %parallel_loop3A_238 = arith.constant 2048 : i32
        %parallel_loop3A_239 = arith.muli %select_n3A_199, %parallel_loop3A_238 : i32
        %parallel_loop3A_240 = arith.constant 16 : i32
        %parallel_loop3A_241 = arith.muli %parallel_loop3A_237, %parallel_loop3A_240 : i32
        %parallel_loop3A_242 = arith.addi %parallel_loop3A_239, %parallel_loop3A_241 : i32
        %parallel_loop3A_243 = arith.constant 0 : i32
        %parallel_loop3A_244 = arith.index_cast %parallel_loop3A_243 : i32 to index
        %parallel_loop3A_245 = arith.index_cast %parallel_loop3A_242 : i32 to index
        %parallel_loop3A_246 = tpu.vector_load %arg7[%parallel_loop3A_244, %parallel_loop3A_245] {strides = array<i32>} : memref<3x4096xi32, #tpu.memory_space<vmem>>, vector<16xi32>,
        %parallel_loop3A_247 = vector.bitcast %parallel_loop3A_246 : vector<16xi32> to vector<16xf32>
        %parallel_loop3A_248 = arith.constant 1 : i32
        %parallel_loop3A_249 = arith.index_cast %parallel_loop3A_248 : i32 to index
        %parallel_loop3A_250 = arith.index_cast %parallel_loop3A_242 : i32 to index
        %parallel_loop3A_251 = tpu.vector_load %arg7[%parallel_loop3A_249, %parallel_loop3A_250] {strides = array<i32>} : memref<3x4096xi32, #tpu.memory_space<vmem>>, vector<16xi32>,
        %parallel_loop3A_252 = vector.bitcast %parallel_loop3A_251 : vector<16xi32> to vector<16xf32>
        %parallel_loop3A_253 = tpu.pack_subelements %parallel_loop3A_247, %parallel_loop3A_252 {pack_format = #tpu.pack_format<interleaved>, positions = array<i32: 0, 1>} : vector<16xf32>, vector<16xf32> -> vector<32xbf16>
        %parallel_loop3A_254 = vector.bitcast %parallel_loop3A_253 : vector<32xbf16> to vector<16xi32>
        %parallel_loop3A_255 = arith.constant 2000 : i32
        %parallel_loop3A_256 = arith.muli %scan3A_183, %parallel_loop3A_255 : i32
        %parallel_loop3A_257 = arith.constant 16 : i32
        %parallel_loop3A_258 = arith.muli %parallel_loop3A_237, %parallel_loop3A_257 : i32
        %parallel_loop3A_259 = arith.addi %parallel_loop3A_256, %parallel_loop3A_258 : i32
        %parallel_loop3A_260 = arith.index_cast %parallel_loop3A_259 : i32 to index
        %parallel_loop3A_261 = tpu.vector_load %arg6[%parallel_loop3A_260] {strides = array<i32>} : memref<100000xi32, #tpu.memory_space<vmem>>, vector<16xi32>,
        tpu.vector_store %arg6[%parallel_loop3A_260], %parallel_loop3A_254 {strides = array<i32>} : memref<100000xi32, #tpu.memory_space<vmem>>, vector<16xi32>,
      } {sc.loop_unroll_factor = 8 : i64, sc.parallel_access}
    }
    %scan3A_39 = arith.constant 50 : i32
    %dma_start3A_40 = arith.constant 0 : i32
    %dma_start3A_41 = arith.constant 0 : i32
    %dma_start3A_42 = arith.constant 0 : i32
    %dma_start3A_43 = tpu.memref_slice %arg7[%dma_start3A_41, %dma_start3A_42] : memref<3x4096xi32, #tpu.memory_space<vmem>> -> memref<1x4096xi32, #tpu.memory_space<vmem>>
    %dma_start3A_44 = tpu.memref_squeeze %dma_start3A_43 : memref<1x4096xi32, #tpu.memory_space<vmem>> -> memref<4096xi32, #tpu.memory_space<vmem>>
    %dma_start3A_45 = arith.constant 0 : i32
    %dma_start3A_46 = tpu.memref_slice %arg2[%dma_start3A_40, %dma_start3A_45] : memref<200x4096xi32, #tpu.memory_space<hbm>> -> memref<1x4096xi32, #tpu.memory_space<hbm>>
    %dma_start3A_47 = tpu.memref_squeeze %dma_start3A_46 : memref<1x4096xi32, #tpu.memory_space<hbm>> -> memref<4096xi32, #tpu.memory_space<hbm>>
    %dma_start3A_48 = arith.constant 0 : i32
    %dma_start3A_49 = tpu.memref_slice %arg7[%dma_start3A_41, %dma_start3A_48] : memref<3x4096xi32, #tpu.memory_space<vmem>> -> memref<1x4096xi32, #tpu.memory_space<vmem>>
    %dma_start3A_50 = tpu.memref_squeeze %dma_start3A_49 : memref<1x4096xi32, #tpu.memory_space<vmem>> -> memref<4096xi32, #tpu.memory_space<vmem>>
    %dma_start3A_51 = arith.constant 0 : i32
    %dma_start3A_52 = tpu.memref_slice %arg2[%dma_start3A_40, %dma_start3A_51] : memref<200x4096xi32, #tpu.memory_space<hbm>> -> memref<1x4096xi32, #tpu.memory_space<hbm>>
    %dma_start3A_53 = tpu.memref_squeeze %dma_start3A_52 : memref<1x4096xi32, #tpu.memory_space<hbm>> -> memref<4096xi32, #tpu.memory_space<hbm>>
    tpu.enqueue_dma source(%dma_start3A_53 : memref<4096xi32, #tpu.memory_space<hbm>>) target(%dma_start3A_50 : memref<4096xi32, #tpu.memory_space<vmem>>) target_semaphore(%arg10 : memref<!tpu.dma_semaphore, #tpu.memory_space<semaphore_mem>>)
    %dma_start3A_54 = arith.constant 1 : i32
    %dma_start3A_55 = arith.constant 1 : i32
    %dma_start3A_56 = arith.constant 0 : i32
    %dma_start3A_57 = tpu.memref_slice %arg7[%dma_start3A_55, %dma_start3A_56] : memref<3x4096xi32, #tpu.memory_space<vmem>> -> memref<1x4096xi32, #tpu.memory_space<vmem>>
    %dma_start3A_58 = tpu.memref_squeeze %dma_start3A_57 : memref<1x4096xi32, #tpu.memory_space<vmem>> -> memref<4096xi32, #tpu.memory_space<vmem>>
    %dma_start3A_59 = arith.constant 0 : i32
    %dma_start3A_60 = tpu.memref_slice %arg2[%dma_start3A_54, %dma_start3A_59] : memref<200x4096xi32, #tpu.memory_space<hbm>> -> memref<1x4096xi32, #tpu.memory_space<hbm>>
    %dma_start3A_61 = tpu.memref_squeeze %dma_start3A_60 : memref<1x4096xi32, #tpu.memory_space<hbm>> -> memref<4096xi32, #tpu.memory_space<hbm>>
    %dma_start3A_62 = arith.constant 0 : i32
    %dma_start3A_63 = tpu.memref_slice %arg7[%dma_start3A_55, %dma_start3A_62] : memref<3x4096xi32, #tpu.memory_space<vmem>> -> memref<1x4096xi32, #tpu.memory_space<vmem>>
    %dma_start3A_64 = tpu.memref_squeeze %dma_start3A_63 : memref<1x4096xi32, #tpu.memory_space<vmem>> -> memref<4096xi32, #tpu.memory_space<vmem>>
    %dma_start3A_65 = arith.constant 0 : i32
    %dma_start3A_66 = tpu.memref_slice %arg2[%dma_start3A_54, %dma_start3A_65] : memref<200x4096xi32, #tpu.memory_space<hbm>> -> memref<1x4096xi32, #tpu.memory_space<hbm>>
    %dma_start3A_67 = tpu.memref_squeeze %dma_start3A_66 : memref<1x4096xi32, #tpu.memory_space<hbm>> -> memref<4096xi32, #tpu.memory_space<hbm>>
    tpu.enqueue_dma source(%dma_start3A_67 : memref<4096xi32, #tpu.memory_space<hbm>>) target(%dma_start3A_64 : memref<4096xi32, #tpu.memory_space<vmem>>) target_semaphore(%arg10 : memref<!tpu.dma_semaphore, #tpu.memory_space<semaphore_mem>>)
    %scan3A_68 = arith.constant 0 : i32
    %scan3A_69 = arith.constant 0 : i32
    %scan3A_70 = arith.constant 200 : i32
    %scan3A_71 = arith.addi %scan3A_69, %scan3A_70 : i32
    %scan3A_72 = arith.constant 1 : i32
    scf.for %scan3A_183 = %scan3A_69 to %scan3A_71 step %scan3A_72  : i32 {
      %jit3A_184 = arith.constant 2 : i32
      %eq3A_185 = arith.constant 0 : i32
      %eq3A_186 = arith.cmpi eq, %jit3A_184, %eq3A_185 : i32
      %jit3A_187 = arith.constant 1 : i32
      %select_n3A_188 = arith.select %eq3A_186, %jit3A_187, %jit3A_184 : i32
      %rem3A_189 = arith.remsi %scan3A_183, %select_n3A_188 : i32
      %ne3A_190 = arith.constant 0 : i32
      %ne3A_191 = arith.cmpi ne, %rem3A_189, %ne3A_190 : i32
      %lt3A_192 = arith.constant 0 : i32
      %lt3A_193 = arith.cmpi slt, %rem3A_189, %lt3A_192 : i32
      %lt3A_194 = arith.constant 0 : i32
      %lt3A_195 = arith.cmpi slt, %select_n3A_188, %lt3A_194 : i32
      %ne3A_196 = arith.xori %lt3A_193, %lt3A_195 : i1
      %and3A_197 = arith.andi %ne3A_196, %ne3A_191 : i1
      %add3A_198 = arith.addi %rem3A_189, %select_n3A_188 : i32
      %select_n3A_199 = arith.select %and3A_197, %add3A_198, %rem3A_189 : i32
      %jit3A_200 = arith.constant 3 : i32
      %eq3A_201 = arith.constant 0 : i32
      %eq3A_202 = arith.cmpi eq, %jit3A_200, %eq3A_201 : i32
      %jit3A_203 = arith.constant 1 : i32
      %select_n3A_204 = arith.select %eq3A_202, %jit3A_203, %jit3A_200 : i32
      %rem3A_205 = arith.remsi %scan3A_183, %select_n3A_204 : i32
      %ne3A_206 = arith.constant 0 : i32
      %ne3A_207 = arith.cmpi ne, %rem3A_205, %ne3A_206 : i32
      %lt3A_208 = arith.constant 0 : i32
      %lt3A_209 = arith.cmpi slt, %rem3A_205, %lt3A_208 : i32
      %lt3A_210 = arith.constant 0 : i32
      %lt3A_211 = arith.cmpi slt, %select_n3A_204, %lt3A_210 : i32
      %ne3A_212 = arith.xori %lt3A_209, %lt3A_211 : i1
      %and3A_213 = arith.andi %ne3A_212, %ne3A_207 : i1
      %add3A_214 = arith.addi %rem3A_205, %select_n3A_204 : i32
      %select_n3A_215 = arith.select %and3A_213, %add3A_214, %rem3A_205 : i32
      %dma_wait3A_216 = arith.constant 0 : i32
      %dma_wait3A_217 = tpu.memref_slice %arg7[%select_n3A_215, %dma_wait3A_216] : memref<3x4096xi32, #tpu.memory_space<vmem>> -> memref<1x4096xi32, #tpu.memory_space<vmem>>
      %dma_wait3A_218 = tpu.memref_squeeze %dma_wait3A_217 : memref<1x4096xi32, #tpu.memory_space<vmem>> -> memref<4096xi32, #tpu.memory_space<vmem>>
      %dma_wait3A_219 = arith.constant 0 : i32
      %dma_wait3A_220 = tpu.memref_slice %arg2[%scan3A_183, %dma_wait3A_219] : memref<200x4096xi32, #tpu.memory_space<hbm>> -> memref<1x4096xi32, #tpu.memory_space<hbm>>
      %dma_wait3A_221 = tpu.memref_squeeze %dma_wait3A_220 : memref<1x4096xi32, #tpu.memory_space<hbm>> -> memref<4096xi32, #tpu.memory_space<hbm>>
      %dma_wait3A_222 = arith.constant 0 : i32
      %dma_wait3A_223 = tpu.memref_slice %arg7[%select_n3A_215, %dma_wait3A_222] : memref<3x4096xi32, #tpu.memory_space<vmem>> -> memref<1x4096xi32, #tpu.memory_space<vmem>>
      %dma_wait3A_224 = tpu.memref_squeeze %dma_wait3A_223 : memref<1x4096xi32, #tpu.memory_space<vmem>> -> memref<4096xi32, #tpu.memory_space<vmem>>
      %dma_wait3A_225 = arith.constant 0 : i32
      %dma_wait3A_226 = tpu.memref_slice %arg2[%scan3A_183, %dma_wait3A_225] : memref<200x4096xi32, #tpu.memory_space<hbm>> -> memref<1x4096xi32, #tpu.memory_space<hbm>>
      %dma_wait3A_227 = tpu.memref_squeeze %dma_wait3A_226 : memref<1x4096xi32, #tpu.memory_space<hbm>> -> memref<4096xi32, #tpu.memory_space<hbm>>
      tpu.wait_dma2 semaphore(%arg10 : memref<!tpu.dma_semaphore, #tpu.memory_space<semaphore_mem>>) src(%dma_wait3A_227 : memref<4096xi32, #tpu.memory_space<hbm>>) dst(%dma_wait3A_224 : memref<4096xi32, #tpu.memory_space<vmem>>)
      %add3A_228 = arith.constant 2 : i32
      %add3A_229 = arith.addi %scan3A_183, %add3A_228 : i32
      %lt3A_230 = arith.constant 200 : i32
      %lt3A_231 = arith.cmpi slt, %add3A_229, %lt3A_230 : i32
      %convert_element_type3A = arith.extui %lt3A_231 : i1 to i32
      %cond3A = arith.constant 0 : i32
      %cond3A_232 = arith.cmpi ne, %convert_element_type3A, %cond3A : i32
      scf.if %cond3A_232 {
        %add3A_408 = arith.constant 2 : i32
        %add3A_409 = arith.addi %scan3A_183, %add3A_408 : i32
        %jit3A_410 = arith.constant 3 : i32
        %eq3A_411 = arith.constant 0 : i32
        %eq3A_412 = arith.cmpi eq, %jit3A_410, %eq3A_411 : i32
        %jit3A_413 = arith.constant 1 : i32
        %select_n3A_414 = arith.select %eq3A_412, %jit3A_413, %jit3A_410 : i32
        %rem3A_415 = arith.remsi %add3A_409, %select_n3A_414 : i32
        %ne3A_416 = arith.constant 0 : i32
        %ne3A_417 = arith.cmpi ne, %rem3A_415, %ne3A_416 : i32
        %lt3A_418 = arith.constant 0 : i32
        %lt3A_419 = arith.cmpi slt, %rem3A_415, %lt3A_418 : i32
        %lt3A_420 = arith.constant 0 : i32
        %lt3A_421 = arith.cmpi slt, %select_n3A_414, %lt3A_420 : i32
        %ne3A_422 = arith.xori %lt3A_419, %lt3A_421 : i1
        %and3A_423 = arith.andi %ne3A_422, %ne3A_417 : i1
        %add3A_424 = arith.addi %rem3A_415, %select_n3A_414 : i32
        %select_n3A_425 = arith.select %and3A_423, %add3A_424, %rem3A_415 : i32
        %dma_start3A_426 = arith.constant 0 : i32
        %dma_start3A_427 = tpu.memref_slice %arg7[%select_n3A_425, %dma_start3A_426] : memref<3x4096xi32, #tpu.memory_space<vmem>> -> memref<1x4096xi32, #tpu.memory_space<vmem>>
        %dma_start3A_428 = tpu.memref_squeeze %dma_start3A_427 : memref<1x4096xi32, #tpu.memory_space<vmem>> -> memref<4096xi32, #tpu.memory_space<vmem>>
        %dma_start3A_429 = arith.constant 0 : i32
        %dma_start3A_430 = tpu.memref_slice %arg2[%add3A_409, %dma_start3A_429] : memref<200x4096xi32, #tpu.memory_space<hbm>> -> memref<1x4096xi32, #tpu.memory_space<hbm>>
        %dma_start3A_431 = tpu.memref_squeeze %dma_start3A_430 : memref<1x4096xi32, #tpu.memory_space<hbm>> -> memref<4096xi32, #tpu.memory_space<hbm>>
        %dma_start3A_432 = arith.constant 0 : i32
        %dma_start3A_433 = tpu.memref_slice %arg7[%select_n3A_425, %dma_start3A_432] : memref<3x4096xi32, #tpu.memory_space<vmem>> -> memref<1x4096xi32, #tpu.memory_space<vmem>>
        %dma_start3A_434 = tpu.memref_squeeze %dma_start3A_433 : memref<1x4096xi32, #tpu.memory_space<vmem>> -> memref<4096xi32, #tpu.memory_space<vmem>>
        %dma_start3A_435 = arith.constant 0 : i32
        %dma_start3A_436 = tpu.memref_slice %arg2[%add3A_409, %dma_start3A_435] : memref<200x4096xi32, #tpu.memory_space<hbm>> -> memref<1x4096xi32, #tpu.memory_space<hbm>>
        %dma_start3A_437 = tpu.memref_squeeze %dma_start3A_436 : memref<1x4096xi32, #tpu.memory_space<hbm>> -> memref<4096xi32, #tpu.memory_space<hbm>>
        tpu.enqueue_dma source(%dma_start3A_437 : memref<4096xi32, #tpu.memory_space<hbm>>) target(%dma_start3A_434 : memref<4096xi32, #tpu.memory_space<vmem>>) target_semaphore(%arg10 : memref<!tpu.dma_semaphore, #tpu.memory_space<semaphore_mem>>)
      } else {
      }
      %ge3A = arith.constant 2 : i32
      %ge3A_233 = arith.cmpi sge, %scan3A_183, %ge3A : i32
      %convert_element_type3A_234 = arith.extui %ge3A_233 : i1 to i32
      %cond3A_235 = arith.constant 0 : i32
      %cond3A_236 = arith.cmpi ne, %convert_element_type3A_234, %cond3A_235 : i32
      scf.if %cond3A_236 {
        %sub3A_408 = arith.constant 2 : i32
        %sub3A_409 = arith.subi %scan3A_183, %sub3A_408 : i32
        %jit3A_410 = arith.constant 8 : i32
        %div3A_411 = arith.divsi %mul3A_2, %jit3A_410 : i32
        %sign3A_412 = arith.constant 0 : i32
        %sign3A_413 = arith.cmpi sgt, %mul3A_2, %sign3A_412 : i32
        %sign3A_414 = arith.extui %sign3A_413 : i1 to i32
        %sign3A_415 = arith.constant 0 : i32
        %sign3A_416 = arith.cmpi slt, %mul3A_2, %sign3A_415 : i32
        %sign3A_417 = arith.extui %sign3A_416 : i1 to i32
        %sign3A_418 = arith.subi %sign3A_414, %sign3A_417 : i32
        %sign3A_419 = arith.constant 0 : i32
        %sign3A_420 = arith.cmpi sgt, %jit3A_410, %sign3A_419 : i32
        %sign3A_421 = arith.extui %sign3A_420 : i1 to i32
        %sign3A_422 = arith.constant 0 : i32
        %sign3A_423 = arith.cmpi slt, %jit3A_410, %sign3A_422 : i32
        %sign3A_424 = arith.extui %sign3A_423 : i1 to i32
        %sign3A_425 = arith.subi %sign3A_421, %sign3A_424 : i32
        %ne3A_426 = arith.cmpi ne, %sign3A_418, %sign3A_425 : i32
        %rem3A_427 = arith.remsi %mul3A_2, %jit3A_410 : i32
        %ne3A_428 = arith.constant 0 : i32
        %ne3A_429 = arith.cmpi ne, %rem3A_427, %ne3A_428 : i32
        %and3A_430 = arith.andi %ne3A_426, %ne3A_429 : i1
        %sub3A_431 = arith.constant 1 : i32
        %sub3A_432 = arith.subi %div3A_411, %sub3A_431 : i32
        %select_n3A_433 = arith.select %and3A_430, %sub3A_432, %div3A_411 : i32
        %jit3A_434 = arith.constant 8 : i32
        %eq3A_435 = arith.constant 0 : i32
        %eq3A_436 = arith.cmpi eq, %jit3A_434, %eq3A_435 : i32
        %jit3A_437 = arith.constant 1 : i32
        %select_n3A_438 = arith.select %eq3A_436, %jit3A_437, %jit3A_434 : i32
        %rem3A_439 = arith.remsi %mul3A_2, %select_n3A_438 : i32
        %ne3A_440 = arith.constant 0 : i32
        %ne3A_441 = arith.cmpi ne, %rem3A_439, %ne3A_440 : i32
        %lt3A_442 = arith.constant 0 : i32
        %lt3A_443 = arith.cmpi slt, %rem3A_439, %lt3A_442 : i32
        %lt3A_444 = arith.constant 0 : i32
        %lt3A_445 = arith.cmpi slt, %select_n3A_438, %lt3A_444 : i32
        %ne3A_446 = arith.xori %lt3A_443, %lt3A_445 : i1
        %and3A_447 = arith.andi %ne3A_446, %ne3A_441 : i1
        %add3A_448 = arith.addi %rem3A_439, %select_n3A_438 : i32
        %select_n3A_449 = arith.select %and3A_447, %add3A_448, %rem3A_439 : i32
        %dma_wait3A_450 = arith.constant 0 : i32
        %dma_wait3A_451 = arith.constant 0 : i32
        %dma_wait3A_452 = arith.constant 0 : i32
        %dma_wait3A_453 = tpu.memref_slice %arg8[%select_n3A_199, %dma_wait3A_450, %dma_wait3A_451, %dma_wait3A_452] : memref<2x32x2x128xf32, #tpu.memory_space<vmem>> -> memref<1x32x2x128xf32, #tpu.memory_space<vmem>>
        %dma_wait3A_454 = tpu.memref_squeeze %dma_wait3A_453 : memref<1x32x2x128xf32, #tpu.memory_space<vmem>> -> memref<32x2x128xf32, #tpu.memory_space<vmem>>
        %dma_wait3A_455 = arith.constant 0 : i32
        %dma_wait3A_456 = arith.constant 0 : i32
        %dma_wait3A_457 = tpu.memref_slice %arg5[%sub3A_409, %select_n3A_433, %dma_wait3A_455, %select_n3A_449, %dma_wait3A_456] : memref<200x8x32x8x128xf32, #tpu.memory_space<hbm>> -> memref<1x1x32x2x128xf32, #tpu.memory_space<hbm>>
        %dma_wait3A_458 = tpu.memref_squeeze %dma_wait3A_457 : memref<1x1x32x2x128xf32, #tpu.memory_space<hbm>> -> memref<32x2x128xf32, #tpu.memory_space<hbm>>
        %dma_wait3A_459 = arith.constant 0 : i32
        %dma_wait3A_460 = arith.constant 0 : i32
        %dma_wait3A_461 = tpu.memref_slice %arg5[%sub3A_409, %select_n3A_433, %dma_wait3A_459, %select_n3A_449, %dma_wait3A_460] : memref<200x8x32x8x128xf32, #tpu.memory_space<hbm>> -> memref<1x1x32x2x128xf32, #tpu.memory_space<hbm>>
        %dma_wait3A_462 = tpu.memref_squeeze %dma_wait3A_461 : memref<1x1x32x2x128xf32, #tpu.memory_space<hbm>> -> memref<32x2x128xf32, #tpu.memory_space<hbm>>
        %dma_wait3A_463 = arith.constant 0 : i32
        %dma_wait3A_464 = arith.constant 0 : i32
        %dma_wait3A_465 = arith.constant 0 : i32
        %dma_wait3A_466 = tpu.memref_slice %arg8[%select_n3A_199, %dma_wait3A_463, %dma_wait3A_464, %dma_wait3A_465] : memref<2x32x2x128xf32, #tpu.memory_space<vmem>> -> memref<1x32x2x128xf32, #tpu.memory_space<vmem>>
        %dma_wait3A_467 = tpu.memref_squeeze %dma_wait3A_466 : memref<1x32x2x128xf32, #tpu.memory_space<vmem>> -> memref<32x2x128xf32, #tpu.memory_space<vmem>>
        tpu.wait_dma2 semaphore(%arg11 : memref<!tpu.dma_semaphore, #tpu.memory_space<semaphore_mem>>) src(%dma_wait3A_467 : memref<32x2x128xf32, #tpu.memory_space<vmem>>) dst(%dma_wait3A_462 : memref<32x2x128xf32, #tpu.memory_space<hbm>>)
      } else {
      }
      %jit3A_237 = arith.constant 16 : i32
      %div3A_238 = arith.divsi %scan3A_183, %jit3A_237 : i32
      %sign3A_239 = arith.constant 0 : i32
      %sign3A_240 = arith.cmpi sgt, %scan3A_183, %sign3A_239 : i32
      %sign3A_241 = arith.extui %sign3A_240 : i1 to i32
      %sign3A_242 = arith.constant 0 : i32
      %sign3A_243 = arith.cmpi slt, %scan3A_183, %sign3A_242 : i32
      %sign3A_244 = arith.extui %sign3A_243 : i1 to i32
      %sign3A_245 = arith.subi %sign3A_241, %sign3A_244 : i32
      %sign3A_246 = arith.constant 0 : i32
      %sign3A_247 = arith.cmpi sgt, %jit3A_237, %sign3A_246 : i32
      %sign3A_248 = arith.extui %sign3A_247 : i1 to i32
      %sign3A_249 = arith.constant 0 : i32
      %sign3A_250 = arith.cmpi slt, %jit3A_237, %sign3A_249 : i32
      %sign3A_251 = arith.extui %sign3A_250 : i1 to i32
      %sign3A_252 = arith.subi %sign3A_248, %sign3A_251 : i32
      %ne3A_253 = arith.cmpi ne, %sign3A_245, %sign3A_252 : i32
      %rem3A_254 = arith.remsi %scan3A_183, %jit3A_237 : i32
      %ne3A_255 = arith.constant 0 : i32
      %ne3A_256 = arith.cmpi ne, %rem3A_254, %ne3A_255 : i32
      %and3A_257 = arith.andi %ne3A_253, %ne3A_256 : i1
      %sub3A_258 = arith.constant 1 : i32
      %sub3A_259 = arith.subi %div3A_238, %sub3A_258 : i32
      %select_n3A_260 = arith.select %and3A_257, %sub3A_259, %div3A_238 : i32
      %mul3A_261 = arith.constant 16 : i32
      %mul3A_262 = arith.muli %select_n3A_260, %mul3A_261 : i32
      %get3A = arith.constant 0 : i32
      %get3A_263 = arith.index_cast %get3A : i32 to index
      %get3A_264 = arith.index_cast %mul3A_262 : i32 to index
      %get3A_265 = tpu.vector_load %arg9[%get3A_263, %get3A_264] {strides = array<i32>} : memref<2x256xf32, #tpu.memory_space<vmem>>, vector<16xf32>,
      %jit3A_266 = arith.constant 16 : i32
      %eq3A_267 = arith.constant 0 : i32
      %eq3A_268 = arith.cmpi eq, %jit3A_266, %eq3A_267 : i32
      %jit3A_269 = arith.constant 1 : i32
      %select_n3A_270 = arith.select %eq3A_268, %jit3A_269, %jit3A_266 : i32
      %rem3A_271 = arith.remsi %scan3A_183, %select_n3A_270 : i32
      %ne3A_272 = arith.constant 0 : i32
      %ne3A_273 = arith.cmpi ne, %rem3A_271, %ne3A_272 : i32
      %lt3A_274 = arith.constant 0 : i32
      %lt3A_275 = arith.cmpi slt, %rem3A_271, %lt3A_274 : i32
      %lt3A_276 = arith.constant 0 : i32
      %lt3A_277 = arith.cmpi slt, %select_n3A_270, %lt3A_276 : i32
      %ne3A_278 = arith.xori %lt3A_275, %lt3A_277 : i1
      %and3A_279 = arith.andi %ne3A_278, %ne3A_273 : i1
      %add3A_280 = arith.addi %rem3A_271, %select_n3A_270 : i32
      %select_n3A_281 = arith.select %and3A_279, %add3A_280, %rem3A_271 : i32
      %broadcast_in_dim3A = vector.broadcast %select_n3A_281 : i32 to vector<16x1xi32>
      %gather3A = vector.shape_cast %broadcast_in_dim3A : vector<16x1xi32> to vector<16xi32>
      %gather3A_282 = tpu.dynamic_gather %get3A_265[%gather3A] in [0] : vector<16xf32>, vector<16xi32> -> vector<16xf32>
      %jit3A_283 = arith.constant 16 : i32
      %div3A_284 = arith.divsi %scan3A_183, %jit3A_283 : i32
      %sign3A_285 = arith.constant 0 : i32
      %sign3A_286 = arith.cmpi sgt, %scan3A_183, %sign3A_285 : i32
      %sign3A_287 = arith.extui %sign3A_286 : i1 to i32
      %sign3A_288 = arith.constant 0 : i32
      %sign3A_289 = arith.cmpi slt, %scan3A_183, %sign3A_288 : i32
      %sign3A_290 = arith.extui %sign3A_289 : i1 to i32
      %sign3A_291 = arith.subi %sign3A_287, %sign3A_290 : i32
      %sign3A_292 = arith.constant 0 : i32
      %sign3A_293 = arith.cmpi sgt, %jit3A_283, %sign3A_292 : i32
      %sign3A_294 = arith.extui %sign3A_293 : i1 to i32
      %sign3A_295 = arith.constant 0 : i32
      %sign3A_296 = arith.cmpi slt, %jit3A_283, %sign3A_295 : i32
      %sign3A_297 = arith.extui %sign3A_296 : i1 to i32
      %sign3A_298 = arith.subi %sign3A_294, %sign3A_297 : i32
      %ne3A_299 = arith.cmpi ne, %sign3A_291, %sign3A_298 : i32
      %rem3A_300 = arith.remsi %scan3A_183, %jit3A_283 : i32
      %ne3A_301 = arith.constant 0 : i32
      %ne3A_302 = arith.cmpi ne, %rem3A_300, %ne3A_301 : i32
      %and3A_303 = arith.andi %ne3A_299, %ne3A_302 : i1
      %sub3A_304 = arith.constant 1 : i32
      %sub3A_305 = arith.subi %div3A_284, %sub3A_304 : i32
      %select_n3A_306 = arith.select %and3A_303, %sub3A_305, %div3A_284 : i32
      %mul3A_307 = arith.constant 16 : i32
      %mul3A_308 = arith.muli %select_n3A_306, %mul3A_307 : i32
      %get3A_309 = arith.constant 1 : i32
      %get3A_310 = arith.index_cast %get3A_309 : i32 to index
      %get3A_311 = arith.index_cast %mul3A_308 : i32 to index
      %get3A_312 = tpu.vector_load %arg9[%get3A_310, %get3A_311] {strides = array<i32>} : memref<2x256xf32, #tpu.memory_space<vmem>>, vector<16xf32>,
      %jit3A_313 = arith.constant 16 : i32
      %eq3A_314 = arith.constant 0 : i32
      %eq3A_315 = arith.cmpi eq, %jit3A_313, %eq3A_314 : i32
      %jit3A_316 = arith.constant 1 : i32
      %select_n3A_317 = arith.select %eq3A_315, %jit3A_316, %jit3A_313 : i32
      %rem3A_318 = arith.remsi %scan3A_183, %select_n3A_317 : i32
      %ne3A_319 = arith.constant 0 : i32
      %ne3A_320 = arith.cmpi ne, %rem3A_318, %ne3A_319 : i32
      %lt3A_321 = arith.constant 0 : i32
      %lt3A_322 = arith.cmpi slt, %rem3A_318, %lt3A_321 : i32
      %lt3A_323 = arith.constant 0 : i32
      %lt3A_324 = arith.cmpi slt, %select_n3A_317, %lt3A_323 : i32
      %ne3A_325 = arith.xori %lt3A_322, %lt3A_324 : i1
      %and3A_326 = arith.andi %ne3A_325, %ne3A_320 : i1
      %add3A_327 = arith.addi %rem3A_318, %select_n3A_317 : i32
      %select_n3A_328 = arith.select %and3A_326, %add3A_327, %rem3A_318 : i32
      %broadcast_in_dim3A_329 = vector.broadcast %select_n3A_328 : i32 to vector<16x1xi32>
      %gather3A_330 = vector.shape_cast %broadcast_in_dim3A_329 : vector<16x1xi32> to vector<16xi32>
      %gather3A_331 = tpu.dynamic_gather %get3A_312[%gather3A_330] in [0] : vector<16xf32>, vector<16xi32> -> vector<16xf32>
      %jit3A_332 = arith.constant 3 : i32
      %eq3A_333 = arith.constant 0 : i32
      %eq3A_334 = arith.cmpi eq, %jit3A_332, %eq3A_333 : i32
      %jit3A_335 = arith.constant 1 : i32
      %select_n3A_336 = arith.select %eq3A_334, %jit3A_335, %jit3A_332 : i32
      %rem3A_337 = arith.remsi %scan3A_183, %select_n3A_336 : i32
      %ne3A_338 = arith.constant 0 : i32
      %ne3A_339 = arith.cmpi ne, %rem3A_337, %ne3A_338 : i32
      %lt3A_340 = arith.constant 0 : i32
      %lt3A_341 = arith.cmpi slt, %rem3A_337, %lt3A_340 : i32
      %lt3A_342 = arith.constant 0 : i32
      %lt3A_343 = arith.cmpi slt, %select_n3A_336, %lt3A_342 : i32
      %ne3A_344 = arith.xori %lt3A_341, %lt3A_343 : i1
      %and3A_345 = arith.andi %ne3A_344, %ne3A_339 : i1
      %add3A_346 = arith.addi %rem3A_337, %select_n3A_336 : i32
      %select_n3A_347 = arith.select %and3A_345, %add3A_346, %rem3A_337 : i32
      %parallel_loop3A = arith.constant 0 : i32
      %parallel_loop3A_348 = arith.constant 256 : i32
      %parallel_loop3A_349 = arith.constant 1 : i32
      scf.for %parallel_loop3A_408 = %parallel_loop3A to %parallel_loop3A_348 step %parallel_loop3A_349  : i32 {
        %parallel_loop3A_409 = arith.constant 16 : i32
        %parallel_loop3A_410 = arith.muli %parallel_loop3A_408, %parallel_loop3A_409 : i32
        %parallel_loop3A_411 = arith.index_cast %select_n3A_347 : i32 to index
        %parallel_loop3A_412 = arith.index_cast %parallel_loop3A_410 : i32 to index
        %parallel_loop3A_413 = tpu.vector_load %arg7[%parallel_loop3A_411, %parallel_loop3A_412] {strides = array<i32>} : memref<3x4096xi32, #tpu.memory_space<vmem>>, vector<16xi32>,
        %parallel_loop3A_414 = tpu.vector_load_idx %arg6[%parallel_loop3A_413] : memref<100000xi32, #tpu.memory_space<vmem>>[vector<16xi32>], vector<16xi32>,
        %parallel_loop3A_415 = vector.bitcast %parallel_loop3A_414 : vector<16xi32> to vector<32xbf16>
        %parallel_loop3A_416 = tpu.unpack_subelements %parallel_loop3A_415, 0 {pack_format = #tpu.pack_format<interleaved>} : vector<32xbf16> -> vector<16xf32>
        %parallel_loop3A_417 = tpu.unpack_subelements %parallel_loop3A_415, 1 {pack_format = #tpu.pack_format<interleaved>} : vector<32xbf16> -> vector<16xf32>
        %parallel_loop3A_418 = arith.addf %parallel_loop3A_416, %gather3A_282 : vector<16xf32>
        %parallel_loop3A_419 = arith.constant 8 : i32
        %parallel_loop3A_420 = arith.divsi %parallel_loop3A_408, %parallel_loop3A_419 : i32
        %parallel_loop3A_421 = arith.constant 0 : i32
        %parallel_loop3A_422 = arith.cmpi sgt, %parallel_loop3A_408, %parallel_loop3A_421 : i32
        %parallel_loop3A_423 = arith.extui %parallel_loop3A_422 : i1 to i32
        %parallel_loop3A_424 = arith.constant 0 : i32
        %parallel_loop3A_425 = arith.cmpi slt, %parallel_loop3A_408, %parallel_loop3A_424 : i32
        %parallel_loop3A_426 = arith.extui %parallel_loop3A_425 : i1 to i32
        %parallel_loop3A_427 = arith.subi %parallel_loop3A_423, %parallel_loop3A_426 : i32
        %parallel_loop3A_428 = arith.constant 0 : i32
        %parallel_loop3A_429 = arith.cmpi sgt, %parallel_loop3A_419, %parallel_loop3A_428 : i32
        %parallel_loop3A_430 = arith.extui %parallel_loop3A_429 : i1 to i32
        %parallel_loop3A_431 = arith.constant 0 : i32
        %parallel_loop3A_432 = arith.cmpi slt, %parallel_loop3A_419, %parallel_loop3A_431 : i32
        %parallel_loop3A_433 = arith.extui %parallel_loop3A_432 : i1 to i32
        %parallel_loop3A_434 = arith.subi %parallel_loop3A_430, %parallel_loop3A_433 : i32
        %parallel_loop3A_435 = arith.cmpi ne, %parallel_loop3A_427, %parallel_loop3A_434 : i32
        %parallel_loop3A_436 = arith.remsi %parallel_loop3A_408, %parallel_loop3A_419 : i32
        %parallel_loop3A_437 = arith.constant 0 : i32
        %parallel_loop3A_438 = arith.cmpi ne, %parallel_loop3A_436, %parallel_loop3A_437 : i32
        %parallel_loop3A_439 = arith.andi %parallel_loop3A_435, %parallel_loop3A_438 : i1
        %parallel_loop3A_440 = arith.constant 1 : i32
        %parallel_loop3A_441 = arith.subi %parallel_loop3A_420, %parallel_loop3A_440 : i32
        %parallel_loop3A_442 = arith.select %parallel_loop3A_439, %parallel_loop3A_441, %parallel_loop3A_420 : i32
        %parallel_loop3A_443 = arith.constant 8 : i32
        %parallel_loop3A_444 = arith.constant 0 : i32
        %parallel_loop3A_445 = arith.cmpi eq, %parallel_loop3A_443, %parallel_loop3A_444 : i32
        %parallel_loop3A_446 = arith.constant 1 : i32
        %parallel_loop3A_447 = arith.select %parallel_loop3A_445, %parallel_loop3A_446, %parallel_loop3A_443 : i32
        %parallel_loop3A_448 = arith.remsi %parallel_loop3A_408, %parallel_loop3A_447 : i32
        %parallel_loop3A_449 = arith.constant 0 : i32
        %parallel_loop3A_450 = arith.cmpi ne, %parallel_loop3A_448, %parallel_loop3A_449 : i32
        %parallel_loop3A_451 = arith.constant 0 : i32
        %parallel_loop3A_452 = arith.cmpi slt, %parallel_loop3A_448, %parallel_loop3A_451 : i32
        %parallel_loop3A_453 = arith.constant 0 : i32
        %parallel_loop3A_454 = arith.cmpi slt, %parallel_loop3A_447, %parallel_loop3A_453 : i32
        %parallel_loop3A_455 = arith.xori %parallel_loop3A_452, %parallel_loop3A_454 : i1
        %parallel_loop3A_456 = arith.andi %parallel_loop3A_455, %parallel_loop3A_450 : i1
        %parallel_loop3A_457 = arith.addi %parallel_loop3A_448, %parallel_loop3A_447 : i32
        %parallel_loop3A_458 = arith.select %parallel_loop3A_456, %parallel_loop3A_457, %parallel_loop3A_448 : i32
        %parallel_loop3A_459 = arith.constant 16 : i32
        %parallel_loop3A_460 = arith.muli %parallel_loop3A_458, %parallel_loop3A_459 : i32
        %parallel_loop3A_461 = arith.constant 0 : i32
        %parallel_loop3A_462 = arith.index_cast %select_n3A_199 : i32 to index
        %parallel_loop3A_463 = arith.index_cast %parallel_loop3A_442 : i32 to index
        %parallel_loop3A_464 = arith.index_cast %parallel_loop3A_461 : i32 to index
        %parallel_loop3A_465 = arith.index_cast %parallel_loop3A_460 : i32 to index
        %parallel_loop3A_466 = tpu.vector_load %arg8[%parallel_loop3A_462, %parallel_loop3A_463, %parallel_loop3A_464, %parallel_loop3A_465] {strides = array<i32>} : memref<2x32x2x128xf32, #tpu.memory_space<vmem>>, vector<16xf32>,
        tpu.vector_store %arg8[%parallel_loop3A_462, %parallel_loop3A_463, %parallel_loop3A_464, %parallel_loop3A_465], %parallel_loop3A_418 {strides = array<i32>} : memref<2x32x2x128xf32, #tpu.memory_space<vmem>>, vector<16xf32>,
        %parallel_loop3A_467 = arith.addf %parallel_loop3A_417, %gather3A_331 : vector<16xf32>
        %parallel_loop3A_468 = arith.constant 8 : i32
        %parallel_loop3A_469 = arith.divsi %parallel_loop3A_408, %parallel_loop3A_468 : i32
        %parallel_loop3A_470 = arith.constant 0 : i32
        %parallel_loop3A_471 = arith.cmpi sgt, %parallel_loop3A_408, %parallel_loop3A_470 : i32
        %parallel_loop3A_472 = arith.extui %parallel_loop3A_471 : i1 to i32
        %parallel_loop3A_473 = arith.constant 0 : i32
        %parallel_loop3A_474 = arith.cmpi slt, %parallel_loop3A_408, %parallel_loop3A_473 : i32
        %parallel_loop3A_475 = arith.extui %parallel_loop3A_474 : i1 to i32
        %parallel_loop3A_476 = arith.subi %parallel_loop3A_472, %parallel_loop3A_475 : i32
        %parallel_loop3A_477 = arith.constant 0 : i32
        %parallel_loop3A_478 = arith.cmpi sgt, %parallel_loop3A_468, %parallel_loop3A_477 : i32
        %parallel_loop3A_479 = arith.extui %parallel_loop3A_478 : i1 to i32
        %parallel_loop3A_480 = arith.constant 0 : i32
        %parallel_loop3A_481 = arith.cmpi slt, %parallel_loop3A_468, %parallel_loop3A_480 : i32
        %parallel_loop3A_482 = arith.extui %parallel_loop3A_481 : i1 to i32
        %parallel_loop3A_483 = arith.subi %parallel_loop3A_479, %parallel_loop3A_482 : i32
        %parallel_loop3A_484 = arith.cmpi ne, %parallel_loop3A_476, %parallel_loop3A_483 : i32
        %parallel_loop3A_485 = arith.remsi %parallel_loop3A_408, %parallel_loop3A_468 : i32
        %parallel_loop3A_486 = arith.constant 0 : i32
        %parallel_loop3A_487 = arith.cmpi ne, %parallel_loop3A_485, %parallel_loop3A_486 : i32
        %parallel_loop3A_488 = arith.andi %parallel_loop3A_484, %parallel_loop3A_487 : i1
        %parallel_loop3A_489 = arith.constant 1 : i32
        %parallel_loop3A_490 = arith.subi %parallel_loop3A_469, %parallel_loop3A_489 : i32
        %parallel_loop3A_491 = arith.select %parallel_loop3A_488, %parallel_loop3A_490, %parallel_loop3A_469 : i32
        %parallel_loop3A_492 = arith.constant 8 : i32
        %parallel_loop3A_493 = arith.constant 0 : i32
        %parallel_loop3A_494 = arith.cmpi eq, %parallel_loop3A_492, %parallel_loop3A_493 : i32
        %parallel_loop3A_495 = arith.constant 1 : i32
        %parallel_loop3A_496 = arith.select %parallel_loop3A_494, %parallel_loop3A_495, %parallel_loop3A_492 : i32
        %parallel_loop3A_497 = arith.remsi %parallel_loop3A_408, %parallel_loop3A_496 : i32
        %parallel_loop3A_498 = arith.constant 0 : i32
        %parallel_loop3A_499 = arith.cmpi ne, %parallel_loop3A_497, %parallel_loop3A_498 : i32
        %parallel_loop3A_500 = arith.constant 0 : i32
        %parallel_loop3A_501 = arith.cmpi slt, %parallel_loop3A_497, %parallel_loop3A_500 : i32
        %parallel_loop3A_502 = arith.constant 0 : i32
        %parallel_loop3A_503 = arith.cmpi slt, %parallel_loop3A_496, %parallel_loop3A_502 : i32
        %parallel_loop3A_504 = arith.xori %parallel_loop3A_501, %parallel_loop3A_503 : i1
        %parallel_loop3A_505 = arith.andi %parallel_loop3A_504, %parallel_loop3A_499 : i1
        %parallel_loop3A_506 = arith.addi %parallel_loop3A_497, %parallel_loop3A_496 : i32
        %parallel_loop3A_507 = arith.select %parallel_loop3A_505, %parallel_loop3A_506, %parallel_loop3A_497 : i32
        %parallel_loop3A_508 = arith.constant 16 : i32
        %parallel_loop3A_509 = arith.muli %parallel_loop3A_507, %parallel_loop3A_508 : i32
        %parallel_loop3A_510 = arith.constant 1 : i32
        %parallel_loop3A_511 = arith.index_cast %select_n3A_199 : i32 to index
        %parallel_loop3A_512 = arith.index_cast %parallel_loop3A_491 : i32 to index
        %parallel_loop3A_513 = arith.index_cast %parallel_loop3A_510 : i32 to index
        %parallel_loop3A_514 = arith.index_cast %parallel_loop3A_509 : i32 to index
        %parallel_loop3A_515 = tpu.vector_load %arg8[%parallel_loop3A_511, %parallel_loop3A_512, %parallel_loop3A_513, %parallel_loop3A_514] {strides = array<i32>} : memref<2x32x2x128xf32, #tpu.memory_space<vmem>>, vector<16xf32>,
        tpu.vector_store %arg8[%parallel_loop3A_511, %parallel_loop3A_512, %parallel_loop3A_513, %parallel_loop3A_514], %parallel_loop3A_467 {strides = array<i32>} : memref<2x32x2x128xf32, #tpu.memory_space<vmem>>, vector<16xf32>,
      } {sc.loop_unroll_factor = 8 : i64, sc.parallel_access}
      %jit3A_350 = arith.constant 8 : i32
      %div3A_351 = arith.divsi %mul3A_2, %jit3A_350 : i32
      %sign3A_352 = arith.constant 0 : i32
      %sign3A_353 = arith.cmpi sgt, %mul3A_2, %sign3A_352 : i32
      %sign3A_354 = arith.extui %sign3A_353 : i1 to i32
      %sign3A_355 = arith.constant 0 : i32
      %sign3A_356 = arith.cmpi slt, %mul3A_2, %sign3A_355 : i32
      %sign3A_357 = arith.extui %sign3A_356 : i1 to i32
      %sign3A_358 = arith.subi %sign3A_354, %sign3A_357 : i32
      %sign3A_359 = arith.constant 0 : i32
      %sign3A_360 = arith.cmpi sgt, %jit3A_350, %sign3A_359 : i32
      %sign3A_361 = arith.extui %sign3A_360 : i1 to i32
      %sign3A_362 = arith.constant 0 : i32
      %sign3A_363 = arith.cmpi slt, %jit3A_350, %sign3A_362 : i32
      %sign3A_364 = arith.extui %sign3A_363 : i1 to i32
      %sign3A_365 = arith.subi %sign3A_361, %sign3A_364 : i32
      %ne3A_366 = arith.cmpi ne, %sign3A_358, %sign3A_365 : i32
      %rem3A_367 = arith.remsi %mul3A_2, %jit3A_350 : i32
      %ne3A_368 = arith.constant 0 : i32
      %ne3A_369 = arith.cmpi ne, %rem3A_367, %ne3A_368 : i32
      %and3A_370 = arith.andi %ne3A_366, %ne3A_369 : i1
      %sub3A_371 = arith.constant 1 : i32
      %sub3A_372 = arith.subi %div3A_351, %sub3A_371 : i32
      %select_n3A_373 = arith.select %and3A_370, %sub3A_372, %div3A_351 : i32
      %jit3A_374 = arith.constant 8 : i32
      %eq3A_375 = arith.constant 0 : i32
      %eq3A_376 = arith.cmpi eq, %jit3A_374, %eq3A_375 : i32
      %jit3A_377 = arith.constant 1 : i32
      %select_n3A_378 = arith.select %eq3A_376, %jit3A_377, %jit3A_374 : i32
      %rem3A_379 = arith.remsi %mul3A_2, %select_n3A_378 : i32
      %ne3A_380 = arith.constant 0 : i32
      %ne3A_381 = arith.cmpi ne, %rem3A_379, %ne3A_380 : i32
      %lt3A_382 = arith.constant 0 : i32
      %lt3A_383 = arith.cmpi slt, %rem3A_379, %lt3A_382 : i32
      %lt3A_384 = arith.constant 0 : i32
      %lt3A_385 = arith.cmpi slt, %select_n3A_378, %lt3A_384 : i32
      %ne3A_386 = arith.xori %lt3A_383, %lt3A_385 : i1
      %and3A_387 = arith.andi %ne3A_386, %ne3A_381 : i1
      %add3A_388 = arith.addi %rem3A_379, %select_n3A_378 : i32
      %select_n3A_389 = arith.select %and3A_387, %add3A_388, %rem3A_379 : i32
      %dma_start3A_390 = arith.constant 0 : i32
      %dma_start3A_391 = arith.constant 0 : i32
      %dma_start3A_392 = arith.constant 0 : i32
      %dma_start3A_393 = tpu.memref_slice %arg8[%select_n3A_199, %dma_start3A_390, %dma_start3A_391, %dma_start3A_392] : memref<2x32x2x128xf32, #tpu.memory_space<vmem>> -> memref<1x32x2x128xf32, #tpu.memory_space<vmem>>
      %dma_start3A_394 = tpu.memref_squeeze %dma_start3A_393 : memref<1x32x2x128xf32, #tpu.memory_space<vmem>> -> memref<32x2x128xf32, #tpu.memory_space<vmem>>
      %dma_start3A_395 = arith.constant 0 : i32
      %dma_start3A_396 = arith.constant 0 : i32
      %dma_start3A_397 = tpu.memref_slice %arg5[%scan3A_183, %select_n3A_373, %dma_start3A_395, %select_n3A_389, %dma_start3A_396] : memref<200x8x32x8x128xf32, #tpu.memory_space<hbm>> -> memref<1x1x32x2x128xf32, #tpu.memory_space<hbm>>
      %dma_start3A_398 = tpu.memref_squeeze %dma_start3A_397 : memref<1x1x32x2x128xf32, #tpu.memory_space<hbm>> -> memref<32x2x128xf32, #tpu.memory_space<hbm>>
      %dma_start3A_399 = arith.constant 0 : i32
      %dma_start3A_400 = arith.constant 0 : i32
      %dma_start3A_401 = tpu.memref_slice %arg5[%scan3A_183, %select_n3A_373, %dma_start3A_399, %select_n3A_389, %dma_start3A_400] : memref<200x8x32x8x128xf32, #tpu.memory_space<hbm>> -> memref<1x1x32x2x128xf32, #tpu.memory_space<hbm>>
      %dma_start3A_402 = tpu.memref_squeeze %dma_start3A_401 : memref<1x1x32x2x128xf32, #tpu.memory_space<hbm>> -> memref<32x2x128xf32, #tpu.memory_space<hbm>>
      %dma_start3A_403 = arith.constant 0 : i32
      %dma_start3A_404 = arith.constant 0 : i32
      %dma_start3A_405 = arith.constant 0 : i32
      %dma_start3A_406 = tpu.memref_slice %arg8[%select_n3A_199, %dma_start3A_403, %dma_start3A_404, %dma_start3A_405] : memref<2x32x2x128xf32, #tpu.memory_space<vmem>> -> memref<1x32x2x128xf32, #tpu.memory_space<vmem>>
      %dma_start3A_407 = tpu.memref_squeeze %dma_start3A_406 : memref<1x32x2x128xf32, #tpu.memory_space<vmem>> -> memref<32x2x128xf32, #tpu.memory_space<vmem>>
      tpu.enqueue_dma source(%dma_start3A_407 : memref<32x2x128xf32, #tpu.memory_space<vmem>>) target(%dma_start3A_402 : memref<32x2x128xf32, #tpu.memory_space<hbm>>) target_semaphore(%arg11 : memref<!tpu.dma_semaphore, #tpu.memory_space<semaphore_mem>>)
    }
    %scan3A_73 = arith.constant 200 : i32
    %jit3A = arith.constant 8 : i32
    %div3A = arith.divsi %mul3A_2, %jit3A : i32
    %sign3A = arith.constant 0 : i32
    %sign3A_74 = arith.cmpi sgt, %mul3A_2, %sign3A : i32
    %sign3A_75 = arith.extui %sign3A_74 : i1 to i32
    %sign3A_76 = arith.constant 0 : i32
    %sign3A_77 = arith.cmpi slt, %mul3A_2, %sign3A_76 : i32
    %sign3A_78 = arith.extui %sign3A_77 : i1 to i32
    %sign3A_79 = arith.subi %sign3A_75, %sign3A_78 : i32
    %sign3A_80 = arith.constant 0 : i32
    %sign3A_81 = arith.cmpi sgt, %jit3A, %sign3A_80 : i32
    %sign3A_82 = arith.extui %sign3A_81 : i1 to i32
    %sign3A_83 = arith.constant 0 : i32
    %sign3A_84 = arith.cmpi slt, %jit3A, %sign3A_83 : i32
    %sign3A_85 = arith.extui %sign3A_84 : i1 to i32
    %sign3A_86 = arith.subi %sign3A_82, %sign3A_85 : i32
    %ne3A = arith.cmpi ne, %sign3A_79, %sign3A_86 : i32
    %rem3A = arith.remsi %mul3A_2, %jit3A : i32
    %ne3A_87 = arith.constant 0 : i32
    %ne3A_88 = arith.cmpi ne, %rem3A, %ne3A_87 : i32
    %and3A = arith.andi %ne3A, %ne3A_88 : i1
    %sub3A = arith.constant 1 : i32
    %sub3A_89 = arith.subi %div3A, %sub3A : i32
    %select_n3A = arith.select %and3A, %sub3A_89, %div3A : i32
    %jit3A_90 = arith.constant 8 : i32
    %eq3A = arith.constant 0 : i32
    %eq3A_91 = arith.cmpi eq, %jit3A_90, %eq3A : i32
    %jit3A_92 = arith.constant 1 : i32
    %select_n3A_93 = arith.select %eq3A_91, %jit3A_92, %jit3A_90 : i32
    %rem3A_94 = arith.remsi %mul3A_2, %select_n3A_93 : i32
    %ne3A_95 = arith.constant 0 : i32
    %ne3A_96 = arith.cmpi ne, %rem3A_94, %ne3A_95 : i32
    %lt3A = arith.constant 0 : i32
    %lt3A_97 = arith.cmpi slt, %rem3A_94, %lt3A : i32
    %lt3A_98 = arith.constant 0 : i32
    %lt3A_99 = arith.cmpi slt, %select_n3A_93, %lt3A_98 : i32
    %ne3A_100 = arith.xori %lt3A_97, %lt3A_99 : i1
    %and3A_101 = arith.andi %ne3A_100, %ne3A_96 : i1
    %add3A_102 = arith.addi %rem3A_94, %select_n3A_93 : i32
    %select_n3A_103 = arith.select %and3A_101, %add3A_102, %rem3A_94 : i32
    %dma_wait3A = arith.constant 0 : i32
    %dma_wait3A_104 = arith.constant 198 : i32
    %dma_wait3A_105 = arith.constant 0 : i32
    %dma_wait3A_106 = arith.constant 0 : i32
    %dma_wait3A_107 = arith.constant 0 : i32
    %dma_wait3A_108 = tpu.memref_slice %arg8[%dma_wait3A, %dma_wait3A_105, %dma_wait3A_106, %dma_wait3A_107] : memref<2x32x2x128xf32, #tpu.memory_space<vmem>> -> memref<1x32x2x128xf32, #tpu.memory_space<vmem>>
    %dma_wait3A_109 = tpu.memref_squeeze %dma_wait3A_108 : memref<1x32x2x128xf32, #tpu.memory_space<vmem>> -> memref<32x2x128xf32, #tpu.memory_space<vmem>>
    %dma_wait3A_110 = arith.constant 0 : i32
    %dma_wait3A_111 = arith.constant 0 : i32
    %dma_wait3A_112 = tpu.memref_slice %arg5[%dma_wait3A_104, %select_n3A, %dma_wait3A_110, %select_n3A_103, %dma_wait3A_111] : memref<200x8x32x8x128xf32, #tpu.memory_space<hbm>> -> memref<1x1x32x2x128xf32, #tpu.memory_space<hbm>>
    %dma_wait3A_113 = tpu.memref_squeeze %dma_wait3A_112 : memref<1x1x32x2x128xf32, #tpu.memory_space<hbm>> -> memref<32x2x128xf32, #tpu.memory_space<hbm>>
    %dma_wait3A_114 = arith.constant 0 : i32
    %dma_wait3A_115 = arith.constant 0 : i32
    %dma_wait3A_116 = tpu.memref_slice %arg5[%dma_wait3A_104, %select_n3A, %dma_wait3A_114, %select_n3A_103, %dma_wait3A_115] : memref<200x8x32x8x128xf32, #tpu.memory_space<hbm>> -> memref<1x1x32x2x128xf32, #tpu.memory_space<hbm>>
    %dma_wait3A_117 = tpu.memref_squeeze %dma_wait3A_116 : memref<1x1x32x2x128xf32, #tpu.memory_space<hbm>> -> memref<32x2x128xf32, #tpu.memory_space<hbm>>
    %dma_wait3A_118 = arith.constant 0 : i32
    %dma_wait3A_119 = arith.constant 0 : i32
    %dma_wait3A_120 = arith.constant 0 : i32
    %dma_wait3A_121 = tpu.memref_slice %arg8[%dma_wait3A, %dma_wait3A_118, %dma_wait3A_119, %dma_wait3A_120] : memref<2x32x2x128xf32, #tpu.memory_space<vmem>> -> memref<1x32x2x128xf32, #tpu.memory_space<vmem>>
    %dma_wait3A_122 = tpu.memref_squeeze %dma_wait3A_121 : memref<1x32x2x128xf32, #tpu.memory_space<vmem>> -> memref<32x2x128xf32, #tpu.memory_space<vmem>>
    tpu.wait_dma2 semaphore(%arg11 : memref<!tpu.dma_semaphore, #tpu.memory_space<semaphore_mem>>) src(%dma_wait3A_122 : memref<32x2x128xf32, #tpu.memory_space<vmem>>) dst(%dma_wait3A_117 : memref<32x2x128xf32, #tpu.memory_space<hbm>>)
    %jit3A_123 = arith.constant 8 : i32
    %div3A_124 = arith.divsi %mul3A_2, %jit3A_123 : i32
    %sign3A_125 = arith.constant 0 : i32
    %sign3A_126 = arith.cmpi sgt, %mul3A_2, %sign3A_125 : i32
    %sign3A_127 = arith.extui %sign3A_126 : i1 to i32
    %sign3A_128 = arith.constant 0 : i32
    %sign3A_129 = arith.cmpi slt, %mul3A_2, %sign3A_128 : i32
    %sign3A_130 = arith.extui %sign3A_129 : i1 to i32
    %sign3A_131 = arith.subi %sign3A_127, %sign3A_130 : i32
    %sign3A_132 = arith.constant 0 : i32
    %sign3A_133 = arith.cmpi sgt, %jit3A_123, %sign3A_132 : i32
    %sign3A_134 = arith.extui %sign3A_133 : i1 to i32
    %sign3A_135 = arith.constant 0 : i32
    %sign3A_136 = arith.cmpi slt, %jit3A_123, %sign3A_135 : i32
    %sign3A_137 = arith.extui %sign3A_136 : i1 to i32
    %sign3A_138 = arith.subi %sign3A_134, %sign3A_137 : i32
    %ne3A_139 = arith.cmpi ne, %sign3A_131, %sign3A_138 : i32
    %rem3A_140 = arith.remsi %mul3A_2, %jit3A_123 : i32
    %ne3A_141 = arith.constant 0 : i32
    %ne3A_142 = arith.cmpi ne, %rem3A_140, %ne3A_141 : i32
    %and3A_143 = arith.andi %ne3A_139, %ne3A_142 : i1
    %sub3A_144 = arith.constant 1 : i32
    %sub3A_145 = arith.subi %div3A_124, %sub3A_144 : i32
    %select_n3A_146 = arith.select %and3A_143, %sub3A_145, %div3A_124 : i32
    %jit3A_147 = arith.constant 8 : i32
    %eq3A_148 = arith.constant 0 : i32
    %eq3A_149 = arith.cmpi eq, %jit3A_147, %eq3A_148 : i32
    %jit3A_150 = arith.constant 1 : i32
    %select_n3A_151 = arith.select %eq3A_149, %jit3A_150, %jit3A_147 : i32
    %rem3A_152 = arith.remsi %mul3A_2, %select_n3A_151 : i32
    %ne3A_153 = arith.constant 0 : i32
    %ne3A_154 = arith.cmpi ne, %rem3A_152, %ne3A_153 : i32
    %lt3A_155 = arith.constant 0 : i32
    %lt3A_156 = arith.cmpi slt, %rem3A_152, %lt3A_155 : i32
    %lt3A_157 = arith.constant 0 : i32
    %lt3A_158 = arith.cmpi slt, %select_n3A_151, %lt3A_157 : i32
    %ne3A_159 = arith.xori %lt3A_156, %lt3A_158 : i1
    %and3A_160 = arith.andi %ne3A_159, %ne3A_154 : i1
    %add3A_161 = arith.addi %rem3A_152, %select_n3A_151 : i32
    %select_n3A_162 = arith.select %and3A_160, %add3A_161, %rem3A_152 : i32
    %dma_wait3A_163 = arith.constant 1 : i32
    %dma_wait3A_164 = arith.constant 199 : i32
    %dma_wait3A_165 = arith.constant 0 : i32
    %dma_wait3A_166 = arith.constant 0 : i32
    %dma_wait3A_167 = arith.constant 0 : i32
    %dma_wait3A_168 = tpu.memref_slice %arg8[%dma_wait3A_163, %dma_wait3A_165, %dma_wait3A_166, %dma_wait3A_167] : memref<2x32x2x128xf32, #tpu.memory_space<vmem>> -> memref<1x32x2x128xf32, #tpu.memory_space<vmem>>
    %dma_wait3A_169 = tpu.memref_squeeze %dma_wait3A_168 : memref<1x32x2x128xf32, #tpu.memory_space<vmem>> -> memref<32x2x128xf32, #tpu.memory_space<vmem>>
    %dma_wait3A_170 = arith.constant 0 : i32
    %dma_wait3A_171 = arith.constant 0 : i32
    %dma_wait3A_172 = tpu.memref_slice %arg5[%dma_wait3A_164, %select_n3A_146, %dma_wait3A_170, %select_n3A_162, %dma_wait3A_171] : memref<200x8x32x8x128xf32, #tpu.memory_space<hbm>> -> memref<1x1x32x2x128xf32, #tpu.memory_space<hbm>>
    %dma_wait3A_173 = tpu.memref_squeeze %dma_wait3A_172 : memref<1x1x32x2x128xf32, #tpu.memory_space<hbm>> -> memref<32x2x128xf32, #tpu.memory_space<hbm>>
    %dma_wait3A_174 = arith.constant 0 : i32
    %dma_wait3A_175 = arith.constant 0 : i32
    %dma_wait3A_176 = tpu.memref_slice %arg5[%dma_wait3A_164, %select_n3A_146, %dma_wait3A_174, %select_n3A_162, %dma_wait3A_175] : memref<200x8x32x8x128xf32, #tpu.memory_space<hbm>> -> memref<1x1x32x2x128xf32, #tpu.memory_space<hbm>>
    %dma_wait3A_177 = tpu.memref_squeeze %dma_wait3A_176 : memref<1x1x32x2x128xf32, #tpu.memory_space<hbm>> -> memref<32x2x128xf32, #tpu.memory_space<hbm>>
    %dma_wait3A_178 = arith.constant 0 : i32
    %dma_wait3A_179 = arith.constant 0 : i32
    %dma_wait3A_180 = arith.constant 0 : i32
    %dma_wait3A_181 = tpu.memref_slice %arg8[%dma_wait3A_163, %dma_wait3A_178, %dma_wait3A_179, %dma_wait3A_180] : memref<2x32x2x128xf32, #tpu.memory_space<vmem>> -> memref<1x32x2x128xf32, #tpu.memory_space<vmem>>
    %dma_wait3A_182 = tpu.memref_squeeze %dma_wait3A_181 : memref<1x32x2x128xf32, #tpu.memory_space<vmem>> -> memref<32x2x128xf32, #tpu.memory_space<vmem>>
    tpu.wait_dma2 semaphore(%arg11 : memref<!tpu.dma_semaphore, #tpu.memory_space<semaphore_mem>>) src(%dma_wait3A_182 : memref<32x2x128xf32, #tpu.memory_space<vmem>>) dst(%dma_wait3A_177 : memref<32x2x128xf32, #tpu.memory_space<hbm>>)
    return
  }
}

</mosaic_0001>

<sc_bundles>
// kernel: kernel.3.cloned.1.call-start
scs
__scs_entry_jumppad:
0x0: {  	(pc) =	sbr.rel $0x88, $3  }
0x1: {  	(tag) =	ssettag $0x0;
	lr =	simm.s32 $0x1  }
0x2: {  	[smem:$0x3F9E] =	sst lr;
	_ =	strace $0xD0000000  }
0x3: {  	_ = 	snop  }
0x4: {  	_ = 	snop  }
0x5: {  	_ = 	snop  }
0x6: {  	_ = 	snop  }
0x7: {  	_ = 	snop  }
__scs_overlays_trampoline_lowered:
0x8: {  	[smem:$0x3FAD] =	sst s0  }
0x9: {  	[smem:$0x3FAE] =	sst s1  }
0xa: {  	[smem:$0x3FAF] =	sst s2  }
0xb: {  	[smem:$0x3FB0] =	sst s3  }
0xc: {  	[smem:$0x3FB1] =	sst s4  }
0xd: {  	[smem:$0x3FB2] =	sst s5  }
0xe: {  	[smem:$0x3FB3] =	sst s6  }
0xf: {  	[smem:$0x3FB4] =	sst s7  }
0x10: {  	[smem:$0x3FB5] =	sst s8  }
0x11: {  	[smem:$0x3FB6] =	sst s9;
	s0 =	simm.s32 @!p0 $0x0  }
0x12: {  	s1 =	sld [smem:$0x3F9C];
	s0 =	simm.s32 @p0 $0x1  }
0x13: {  	[smem:$0x3FB7] =	sst s0;
	s0 =	simm.s32 @!p1 $0x0  }
0x14: {  	s2 =	sld [smem:$0x3F9B];
	s0 =	simm.s32 @p1 $0x1  }
0x15: {  	[smem:$0x3FB8] =	sst s0;
	s0 =	simm.s32 @!p2 $0x0  }
0x16: {  	s3 =	sld [smem:$0x3FDB];
	s0 =	simm.s32 @p2 $0x1  }
0x17: {  	s4 =	simm.s32 $0x1BF5;
	[smem:$0x3FBA] =	sst s0  }
0x18: {  	s0 =	sld [smem:$0x3F9D];
	_ =	swait.ge [sflag:s4], $0x0  }
0x19: {  	s7 =	sld [smem:$0x3F9E]  }
0x1a: {  	s8 =	sadd.s32 $0xFFFFE003, lr  }
0x1b: {  	s9 =	sadd.s32 $0xFFFFFEF7, lr;
	s5 =	simm.s32 $0xFFFFFFFF;
	p2 =	slt.u32 s8, $0xFFFFF086  }
0x1c: {  	p1 =	slt.u32 s9, $0xF7A;
	s5 =	simm.s32 @!p2 $0x0  }
0x1d: {  	s5 =	simm.s32 @p1 $0x1;
	p0 =	seq.s32 s7, s2  }
0x1e: {  	s7 =	smul.u32 @!p0 $0xF7A, s2;
	p2 =	seq.s32 @!p0 s5, $0x0  }
0x1f: {  	s9 =	smul.u32 $0xF7A, s1;
	s8 =	simm.s32 @!p0 $0x1BF5;
	p2 =	por !p2, p0  }
0x20: {  	[sflag:s8] =	ssyncset.s32 @!p0 $0xFFFFF086;
	s6 =	sadd.s32 @!p0 s3, s7;
	s7 =	simm.s32 @!p0 $0x108  }
0x21: {  	s3 =	sadd.s32 s3, s9;
	s6 =	sadd.s32 @!p0 $0x88, s6;
	s7 =	simm.s32 @p2 $0x1082  }
0x22: {  	[simem:s7], [sflag:s8] =	dma.local @!p0 [hbm:s6], $0xF7A  }
0x23: {  	s9 =	sor.u32 $0xD0000000, s2;
	s6 =	simm.s32 $0x108;
	_ =	swait.ge @!p0 [sflag:s8], $0x0  }
0x24: {  	s3 =	sadd.s32 $0x88, s3;
	s6 =	simm.s32 @!p1 $0x1082;
	[sflag:s4] =	ssyncset.s32 $0xFFFFF086  }
0x25: {  	[simem:s6], [sflag:s4] =	dma.local [hbm:s3], $0xF7A  }
0x26: {  	[smem:$0x3F9E] =	sst s1;
	(tag) =	ssettag s2;
	_ =	strace s9  }
0x27: {  	s1 =	sld [smem:$0x3FAE]  }
0x28: {  	s2 =	sld [smem:$0x3FAF]  }
0x29: {  	s4 =	sld [smem:$0x3FB1]  }
0x2a: {  	p0 =	seq.s32 s5, $0x0;
	s5 =	sld [smem:$0x3FB2]  }
0x2b: {  	s6 =	sld [smem:$0x3FB3]  }
0x2c: {  	s7 =	sld [smem:$0x3FB4]  }
0x2d: {  	s3 =	simm.s32 $0x108;
	s8 =	sld [smem:$0x3FB5]  }
0x2e: {  	s3 =	simm.s32 @!p0 $0x1082;
	s9 =	sld [smem:$0x3FB6]  }
0x2f: {  	lr =	sadd.s32 s0, s3;
	s0 =	sld [smem:$0x3FAD]  }
0x30: {  	s3 =	sld [smem:$0x3FB0]  }
0x31: {  	[smem:$0x3FB9] =	sst s10  }
0x32: {  	s10 =	sld [smem:$0x3FB7];
	_ =	sdelay $0x3  }
0x33: {  	p0 =	seq.s32 s10, $0x1;
	s10 =	sld [smem:$0x3FB9];
	_ =	sdelay $0x3  }
0x34: {  	[smem:$0x3FB9] =	sst s10  }
0x35: {  	s10 =	sld [smem:$0x3FB8];
	_ =	sdelay $0x3  }
0x36: {  	p1 =	seq.s32 s10, $0x1;
	s10 =	sld [smem:$0x3FB9];
	_ =	sdelay $0x3  }
0x37: {  	[smem:$0x3FB9] =	sst s10  }
0x38: {  	s10 =	sld [smem:$0x3FBA]  }
0x39: {  	_ = 	snop;
	(pc) =	sbr.ind lr, $3  }
0x3a: {  	_ = 	snop  }
0x3b: {  	_ = 	snop  }
0x3c: {  	p2 =	seq.s32 s10, $0x1;
	s10 =	sld [smem:$0x3FB9]  }
0x3d: {  	_ =	shalt  }
0x3e: {  	_ =	shalt  }
0x3f: {  	_ =	shalt  }
0x40: {  	_ =	shalt  }
0x41: {  	_ =	shalt  }
0x42: {  	_ =	shalt  }
0x43: {  	_ =	shalt  }
0x44: {  	_ =	shalt  }
0x45: {  	_ =	shalt  }
0x46: {  	_ =	shalt  }
0x47: {  	_ =	shalt  }
0x48: {  	_ =	shalt  }
0x49: {  	_ =	shalt  }
0x4a: {  	_ =	shalt  }
0x4b: {  	_ =	shalt  }
0x4c: {  	_ =	shalt  }
0x4d: {  	_ =	shalt  }
0x4e: {  	_ =	shalt  }
0x4f: {  	_ =	shalt  }
0x50: {  	_ =	shalt  }
0x51: {  	_ =	shalt  }
0x52: {  	_ =	shalt  }
0x53: {  	_ =	shalt  }
0x54: {  	_ =	shalt  }
0x55: {  	_ =	shalt  }
0x56: {  	_ =	shalt  }
0x57: {  	_ =	shalt  }
0x58: {  	_ =	shalt  }
0x59: {  	_ =	shalt  }
0x5a: {  	_ =	shalt  }
0x5b: {  	_ =	shalt  }
0x5c: {  	_ =	shalt  }
0x5d: {  	_ =	shalt  }
0x5e: {  	_ =	shalt  }
0x5f: {  	_ =	shalt  }
0x60: {  	_ =	shalt  }
0x61: {  	_ =	shalt  }
0x62: {  	_ =	shalt  }
0x63: {  	_ =	shalt  }
0x64: {  	_ =	shalt  }
0x65: {  	_ =	shalt  }
0x66: {  	_ =	shalt  }
0x67: {  	_ =	shalt  }
0x68: {  	_ =	shalt  }
0x69: {  	_ =	shalt  }
0x6a: {  	_ =	shalt  }
0x6b: {  	_ =	shalt  }
0x6c: {  	_ =	shalt  }
0x6d: {  	_ =	shalt  }
0x6e: {  	_ =	shalt  }
0x6f: {  	_ =	shalt  }
0x70: {  	_ =	shalt  }
0x71: {  	_ =	shalt  }
0x72: {  	_ =	shalt  }
0x73: {  	_ =	shalt  }
0x74: {  	_ =	shalt  }
0x75: {  	_ =	shalt  }
0x76: {  	_ =	shalt  }
0x77: {  	_ =	shalt  }
0x78: {  	_ =	shalt  }
0x79: {  	_ =	shalt  }
0x7a: {  	_ =	shalt  }
0x7b: {  	_ =	shalt  }
0x7c: {  	_ =	shalt  }
0x7d: {  	_ =	shalt  }
0x7e: {  	_ =	shalt  }
0x7f: {  	_ =	shalt  }
0x80: {  	_ =	shalt  }
0x81: {  	_ =	shalt  }
0x82: {  	_ =	shalt  }
0x83: {  	_ =	shalt  }
0x84: {  	_ =	shalt  }
0x85: {  	_ =	shalt  }
0x86: {  	_ =	shalt  }
0x87: {  	_ =	shalt  }
.Lfunc_end0:
.L_simem_size_0:
called_computation_lowered:
.L_overlay_start_0:
0x88: {  	s2 =	sld [smem:$0x3FD9]  }
0x89: {  	s3 =	sld [smem:$0x3FFE];
	_ =	sdelay $0x1  }
0x8a: {  	s1 =	srdreg.scid  }
0x8b: {  	s0 =	sand.u32 $0x1, s1  }
0x8c: {  	s17 =	sshll.u32 s0, $0xA;
	s2 =	sadd.s32 s3, s2  }
0x8d: {  	s2 =	sadd.s32 s2, s17  }
0x8e: {  	[smem:$0x3FC5] =	sst s2  }
0x8f: {  	_ = 	snop  }
0x90: {  	s2 =	sld [smem:$0x3FD0];
	(tm) =	ssettm $0x1  }
0x91: {  	s18 =	sld [smem:$0x3FFB];
	_ =	sdelay $0x3  }
0x92: {  	_ =	strace s18  }
0x93: {  	s3 =	sld [smem:$0x3FFC];
	_ =	sdelay $0x3  }
0x94: {  	_ =	strace s3  }
0x95: {  	s3 =	sld [smem:$0x3FFD];
	_ =	sdelay $0x3  }
0x96: {  	_ =	strace s3  }
0x97: {  	_ =	strace $0x8FFFFFFF  }
0x98: {  	s19 =	sld [smem:$0x3FDB];
	_ =	sdelay $0x1  }
0x99: {  	s4 =	simm.s32 $_scs_section_size  }
0x9a: {  	s5 =	simm.s32 $_size__tile_overlayer_lowered;
	s6 =	simm.s32 $_tile_overlayer_lowered  }
0x9b: {  	s22 =	simm.s32 $0x1BFF;
	s21 =	sshll.u32 s6, $0x1;
	s3 =	sadd.s32 s4, s19  }
0x9c: {  	s7 =	simm.s32 $0x0;
	s20 =	sshll.u32 s5, $0x1;
	s5 =	sadd.s32 s21, s3  }
0x9d: {  	[timem:s7], [sflag:s22] =	dma.local [hbm:s5], s20  }
0x9e: {  	_ =	swait.ge [sflag:s22], s20  }
0x9f: {  	s4 =	ssub.s32 $0x0, s20;
	[sflag:s22] =	ssyncset.done $0x0  }
0xa0: {  	[sflag:s22] =	ssyncadd.s32 s4;
	_ =	sdelay $0x1  }
0xa1: {  	s23 =	simm.s32 $0x1B8B  }
0xa2: {  	_ =	swait.ge [sflag:s23], $0x1  }
0xa3: {  	[sflag:s23] =	ssyncset.done $0x0  }
0xa4: {  	s25 =	simm.s32 $0x1B8E;
	s24 =	sld [smem:$0x3FFE];
	[sflag:s23] =	ssyncadd.s32 $0xFFFFFFFF  }
0xa5: {  	s26 =	simm.s32 $execute0_lowered;
	[smem:$0x3FD2] =	sst s25  }
0xa6: {  	s5 =	sshll.u32 s26, $0x1;
	_ =	strace $0x80000046;
	[dreg:$0x1] =	wrdreg $0xFFFFFFFF  }
0xa7: {  	s28 =	simm.s32 $_size_execute0_lowered;
	s3 =	sadd.s32 s3, s5;
	[dreg:$0x0] =	wrdreg $0x0  }
0xa8: {  	s5 =	sshll.u32 s28, $0x1;
	[dreg:$0x2] =	wrdreg s3  }
0xa9: {  	[dreg:$0x3] =	wrdreg s5  }
0xaa: {  	[dreg:$0x4] =	wrdreg $0xC0  }
0xab: {  	_ =	task [dreg:s7], $0x5FFFF  }
0xac: {  	[dreg:$0x1] =	wrdreg $0xFFFFFFFF  }
0xad: {  	[dreg:$0x0] =	wrdreg $0x60  }
0xae: {  	[dreg:$0x2] =	wrdreg s24  }
0xaf: {  	[dreg:$0x3] =	wrdreg s2  }
0xb0: {  	[dreg:$0x4] =	wrdreg $0x9  }
0xb1: {  	_ =	task.clear_ibuf [dreg:s7], $0x5FFFF;
	_ =	strace $0x90000046  }
0xb2: {  	s29 =	simm.s32 $0x9;
	_ =	strace $0x80000048  }
0xb3: {  	_ =	swait.ge [sflag:s29], $0x1  }
0xb4: {  	[sflag:s29] =	ssyncadd.s32 $0xFFFFFFFF  }
0xb5: {  	_ =	strace $0x90000048  }
0xb6: {  	_ =	sfence  }
0xb7: {  	s30 =	sld [smem:$0x0];
	_ =	sdelay $0x2  }
0xb8: {  	s31 =	sshll.u32 s1, $0xD;
	s1 =	sshrl.u32 s1, $0x2  }
0xb9: {  	s3 =	sand.u32 $0x4000, s31;
	s1 =	sadd.s32 s1, s30  }
0xba: {  	s0 =	sor.u32 s3, s0;
	s1 =	sshll.u32 s1, $0x11  }
0xbb: {  	s0 =	sor.u32 s1, s0  }
0xbc: {  	s0 =	sadd.s32 $0x8F2B, s0  }
0xbd: {  	[sflag:s0] =	ssyncadd.remote.s32 $0x1  }
0xbe: {  	_ =	sfence.sel $0xFFFF  }
0xbf: {  	[dreg:$0x0] =	wrdreg $0xFFFFFFFF;
	(pc) =	sbr.abs _section_cstart, $3  }
0xc0: {  	[dreg:$0x1] =	wrdreg $0xFFFFFFFF  }
0xc1: {  	_ =	task.clear_ibuf [dreg:s7], $0x2FFFF;
	_ =	strace $0x9FFFFFFF  }
0xc2: {  	(tm) =	ssettm $0x7FFFFFFF  }
0xc3: {  	_ =	shalt  }
tec
execute0_lowered:
.L_overlay_start_1:
0x0: {  	(tag) =	ssettag $0x1  }
0x1: {  	s0 =	rddreg [dreg:$0x0]  }
0x2: {  	s12 =	rddreg [dreg:$0x1]  }
0x3: {  	s2 =	srdreg.scid;
	s1 =	stileid.u32  }
0x4: {  	s16 =	simm.s32 $0x1F7A0;
	s17 =	simm.s32 $0x186A0;
	s18 =	simm.s32 $0x196A0  }
0x5: {  	s19 =	simm.s32 $0x1;
	s20 =	simm.s32 $0x2;
	s21 =	simm.s32 $0x100  }
0x6: {  	s22 =	simm.s32 $0x400;
	s23 =	simm.s32 $0x0;
	s4 =	sand.u32 $0x1, s2  }
0x7: {  	s2 =	simm.s32 $0x0;
	s3 =	sshll.u32 s1, $0x2;
	s13 =	sadd.s32 $0x400, s0  }
0x8: {  	s30 =	sshll.u32 s1, $0xB;
	s5 =	sshll.u32 s4, $0x1;
	[smem:$0x7FF] =	sst s2  }
0x9: {  	s8 =	ssub.s32 $0x2, s4;
	s4 =	sadd.s32 $0x19C00, s0;
	s11 =	sor.u32 s5, s3  }
0xa: {  	_ =	strace $0x80000047;
	s3 =	sadd.s32 $0xC00, s0;
	s7 =	smul.u32 $0x19, s11  }
0xb: {  	s10 =	sshrl.u32 s8, $0x1;
	s6 =	sor.u32 $0x1, s11;
	s5 =	smul.u32 $0x186A0, s11  }
0xc: {  	s14 =	ssub.s32 s8, s10;
	s15 =	sshll.u32 s11, $0x4;
	s9 =	smul.u32 $0x19, s6  }
0xd: {  	s11 =	sadd.s32 $0xE00, s0;
	s6 =	smul.u32 $0x186A0, s6;
	s31 =	sand.u32 $0x60, s15  }
0xe: {  	s15 =	simm.s32 $0x3;
	s7 =	sadd.s32 s13, s7;
	s28 =	sshrl.u32 s5, $0x3  }
0xf: {  	s8 =	sadd.s32 s13, s9;
	s29 =	sshrl.u32 s6, $0x3;
	s13 =	sand.u32 $0x7000, s30  }
0x10: {  	s9 =	sadd.s32 s4, s28;
	s10 =	sadd.s32 s4, s29;
	s12 =	sadd.s32 s12, s13  }
0x11: {  	s13 =	smax.u32 s14, $0x1;
	s14 =	simm.s32 $0x1F6A0;
	s12 =	sadd.s32 s31, s12  }
.LBB2_1:
0x12: {  	[tilespmem:s14], [sflag:$0x3] =	stream.linear.gather [hbm4b:s7+s2], $0xC8, $0x38;
	[tilespmem:$0x1F8A0] =	vst v63  }
0x13: {  	_ =	swait.ge [sflag:s15], $0xC8  }
0x14: {  	[sflag:s15] =	ssyncset.done $0x0  }
0x15: {  	[sflag:s15] =	ssyncadd.s32 $0xFFFFFF38  }
0x16: {  	[tilespmem:s16], [sflag:$0x3] =	stream.linear.gather [hbm4b:s8+s2], $0xC8, $0x38;
	[tilespmem:$0x1F8A0] =	vst v63  }
0x17: {  	_ =	swait.ge [sflag:s15], $0xC8  }
0x18: {  	[sflag:s15] =	ssyncset.done $0x0  }
0x19: {  	s24 =	simm.s32 $0x40;
	[sflag:s15] =	ssyncadd.s32 $0xFFFFFF38  }
0x1a: {  	[tilespmem:s17], [sflag:$0x1] =	stream.linear.gather [hbm4b:s9+s2], $0x7D0, $0x38;
	[tilespmem:$0x1F8A0] =	vst v63  }
0x1b: {  	p0 =	por $0x0, $0x0;
	s25 =	simm.s32 $0x780;
	s26 =	simm.s32 $0x0  }
0x1c: {  	[tilespmem:s18], [sflag:$0x1] =	stream.linear.gather [hbm4b:s10+s2], $0x7D0, $0x38;
	[tilespmem:$0x1F8A0] =	vst v63  }
.LBB2_3:
0x1d: {  	s0 =	smov.u32 s26;
	_ =	swait.ge [sflag:s19], $0x7D0  }
0x1e: {  	s26 =	sadd.s32 $0x1, s26;
	s29 =	simm.s32 $0x1;
	[sflag:s19] =	ssyncset.done $0x0  }
0x1f: {  	p1 =	seq.s32 s0, $0x31;
	s0 =	sshll.u32 s0, $0xB;
	s29 =	simm.s32 @!p0 $0x0  }
0x20: {  	[sflag:s19] =	ssyncadd.s32 $0xFFFFF830;
	s28 =	smul.u32 @!p1 $0x7D0, s26;
	s0 =	sand.u32 $0x800, s0  }
0x21: {  	s1 =	simm.s32 @!p1 $0x0;
	s29 =	sshll.u32 s29, $0xB;
	_ =	swait.ge [sflag:s19], $0x7D0  }
0x22: {  	s31 =	sxor.u32 @!p1 $0x800, s0;
	[sflag:s19] =	ssyncset.done $0x0;
	s30 =	sadd.s32 @!p1 s5, s28  }
0x23: {  	s31 =	sadd.s32 @!p1 $0x186A0, s31;
	s28 =	sadd.s32 @!p1 s6, s28;
	s30 =	sshrl.u32 @!p1 s30, $0x3  }
0x24: {  	[sflag:s19] =	ssyncadd.s32 $0xFFFFF830;
	s28 =	sshrl.u32 @!p1 s28, $0x3;
	s30 =	sadd.s32 @!p1 s4, s30  }
0x25: {  	[tilespmem:s31], [sflag:$0x1] =	stream.linear.gather @!p1 [hbm4b:s30+s1], $0x7D0, $0x38;
	[tilespmem:$0x1F8A0] =	vst v63  }
0x26: {  	s0 =	ssub.s32 @!p1 $0x19EA0, s0;
	s28 =	sadd.s32 @!p1 s4, s28;
	s31 =	sor.u32 $0x196A0, s29  }
0x27: {  	[tilespmem:s0], [sflag:$0x1] =	stream.linear.gather @!p1 [hbm4b:s28+s1], $0x7D0, $0x38;
	[tilespmem:$0x1F8A0] =	vst v63  }
0x28: {  	v1 =	vld [tilespmem:s31+$0xFFFFF070]  }
0x29: {  	v2 =	vld [tilespmem:s31+$0x70]  }
0x2a: {  	v0 =	vld [tilespmem:s31+$0x0]  }
0x2b: {  	v3 =	vld [tilespmem:s31+$0xFFFFF010]  }
0x2c: {  	v4 =	vld [tilespmem:s31+$0x10]  }
0x2d: {  	v5 =	vld [tilespmem:s31+$0xFFFFF020]  }
0x2e: {  	v6 =	vld [tilespmem:s31+$0x20]  }
0x2f: {  	v7 =	vld [tilespmem:s31+$0xFFFFF030]  }
0x30: {  	v8 =	vld [tilespmem:s31+$0x30]  }
0x31: {  	v9 =	vld [tilespmem:s31+$0xFFFFF040]  }
0x32: {  	v10 =	vld [tilespmem:s31+$0x40]  }
0x33: {  	v2 =	vpack.i.f32.bf16 v2, v1;
	v1 =	vld [tilespmem:s31+$0xFFFFF050]  }
0x34: {  	[tilespmem:s24+$0x30] =	vst v2;
	v2 =	vpack.i.f32.bf16 v4, v3;
	v3 =	vld [tilespmem:s31+$0x50]  }
0x35: {  	v4 =	vpack.i.f32.bf16 v6, v5;
	[tilespmem:s24+$0xFFFFFFD0] =	vst v2;
	v2 =	vld [tilespmem:s31+$0xFFFFF060]  }
0x36: {  	s30 =	simm.s32 $0x0;
	v5 =	vpack.i.f32.bf16 v8, v7;
	[tilespmem:s24+$0xFFFFFFE0] =	vst v4;
	v4 =	vld [tilespmem:s31+$0x60]  }
0x37: {  	s28 =	sor.u32 $0x186A0, s29;
	s29 =	smov.u32 s24;
	v6 =	vpack.i.f32.bf16 v10, v9;
	[tilespmem:s24+$0xFFFFFFF0] =	vst v5;
	v5 =	vld [tilespmem:s31+$0xFFFFF000];
	s31 =	sadd.s32 $0x80, s31  }
.LBB2_4:
0x38: {  	v7 =	vld [tilespmem:s31+$0xFFFFF070];
	[tilespmem:s29+$0x0] =	vst v6  }
0x39: {  	s30 =	sadd.s32 $0x8, s30;
	v6 =	vld [tilespmem:s31+$0x70];
	v1 =	vpack.i.f32.bf16 v3, v1  }
0x3a: {  	p1 =	slt.u32 s30, $0x70;
	v3 =	vld [tilespmem:s31+$0x0];
	[tilespmem:s29+$0x10] =	vst v1  }
0x3b: {  	v1 =	vld [tilespmem:s31+$0xFFFFF010];
	v2 =	vpack.i.f32.bf16 v4, v2  }
0x3c: {  	v4 =	vld [tilespmem:s31+$0x10];
	v0 =	vpack.i.f32.bf16 v0, v5;
	[tilespmem:s29+$0x20] =	vst v2  }
0x3d: {  	v2 =	vld [tilespmem:s31+$0xFFFFF020];
	[tilespmem:s29+$0xFFFFFFC0] =	vst v0  }
0x3e: {  	s29 =	sadd.s32 $0x80, s29;
	v5 =	vld [tilespmem:s31+$0x20];
	v7 =	vpack.i.f32.bf16 v6, v7  }
0x3f: {  	s0 =	simm.s32 $0x0;
	v6 =	vld [tilespmem:s31+$0xFFFFF030];
	[tilespmem:s29+$0x30] =	vst v7;
	v0 =	vmov v3  }
0x40: {  	v7 =	vld [tilespmem:s31+$0x30]  }
0x41: {  	v1 =	vpack.i.f32.bf16 v4, v1;
	v8 =	vld [tilespmem:s31+$0xFFFFF040]  }
0x42: {  	[tilespmem:s29+$0xFFFFFFD0] =	vst v1;
	v9 =	vld [tilespmem:s31+$0x40]  }
.Ltmp0:
0x43: {  	v2 =	vpack.i.f32.bf16 v5, v2;
	v1 =	vld [tilespmem:s31+$0xFFFFF050];
	(pc) =	sbr.rel @p1 .LBB2_4-.Ltmp0, $4  }
0x44: {  	[tilespmem:s29+$0xFFFFFFE0] =	vst v2;
	v3 =	vld [tilespmem:s31+$0x50]  }
0x45: {  	v4 =	vpack.i.f32.bf16 v7, v6;
	v2 =	vld [tilespmem:s31+$0xFFFFF060]  }
0x46: {  	[tilespmem:s29+$0xFFFFFFF0] =	vst v4;
	v4 =	vld [tilespmem:s31+$0x60]  }
0x47: {  	v5 =	vld [tilespmem:s31+$0xFFFFF000];
	v6 =	vpack.i.f32.bf16 v9, v8;
	s31 =	sadd.s32 $0x80, s31  }
0x48: {  	_ =	sdelay $0x1  }
0x49: {  	[tilespmem:s29+$0x0] =	vst v6;
	v1 =	vpack.i.f32.bf16 v3, v1  }
0x4a: {  	[tilespmem:s29+$0x10] =	vst v1;
	v63 =	vpack.i.f32.bf16 v4, v2  }
0x4b: {  	v0 =	vpack.i.f32.bf16 v0, v5;
	[tilespmem:s29+$0x20] =	vst v63  }
0x4c: {  	[tilespmem:s29+$0xFFFFFFC0] =	vst v0  }
.LBB2_6:
0x4d: {  	s1 =	sshra.s32 s0, $0x2  }
0x4e: {  	s29 =	sadd.s32 s1, s28  }
0x4f: {  	v0 =	vld [tilespmem:s29+$0x780]  }
0x50: {  	v1 =	vld [tilespmem:s29+$0x1780]  }
0x51: {  	p1 =	seq.s32 s0, $0x100  }
.Ltmp1:
0x52: {  	_ = 	snop;
	(pc) =	sbr.rel @!p1 .LBB2_6-.Ltmp1, $3  }
0x53: {  	_ =	sdelay $0x1  }
0x54: {  	s1 =	sadd.s32 s1, s25;
	v0 =	vpack.i.f32.bf16 v1, v0  }
0x55: {  	s0 =	sadd.s32 $0x40, s0;
	[tilespmem:s1+$0x0] =	vst v0  }
0x56: {  	p1 =	seq.s32 s26, $0x32  }
.Ltmp2:
0x57: {  	_ = 	snop;
	(pc) =	sbr.rel @!p1 .LBB2_3-.Ltmp2, $2  }
0x58: {  	_ =	sdelay $0x2  }
0x59: {  	s24 =	sadd.s32 $0x7D0, s24;
	p0 =	por !p0, !p0;
	s25 =	sadd.s32 $0x7D0, s25  }
0x5a: {  	s24 =	simm.s32 $0x0  }
0x5b: {  	[tilespmem:s17], [sflag:$0x1] =	stream.linear.gather [hbm4b:s3+s24], $0x1000, $0x38;
	[tilespmem:$0x1F8A0] =	vst v63  }
0x5c: {  	p0 =	por $0x0, $0x0;
	s25 =	simm.s32 $0x18710  }
0x5d: {  	[tilespmem:s18], [sflag:$0x1] =	stream.linear.gather [hbm4b:s11+s24], $0x1000, $0x38;
	[tilespmem:$0x1F8A0] =	vst v63  }
.LBB2_8:
0x5e: {  	p1 =	sgt.u32 s24, $0xC5  }
0x5f: {  	s0 =	sadd.s32 @!p1 $0x2, s24  }
0x60: {  	s1 =	smul.u32 @!p1 $0xAB, s0;
	_ =	sdelay $0x1  }
0x61: {  	s1 =	sshrl.u32 @!p1 s1, $0x9  }
0x62: {  	s1 =	sand.u32 @!p1 $0x7F, s1  }
0x63: {  	s1 =	smul.u32 @!p1 $0x3, s1;
	_ =	sdelay $0x1  }
0x64: {  	_ =	swait.ge [sflag:s19], $0x1000;
	s1 =	ssub.s32 @!p1 s0, s1  }
0x65: {  	[sflag:s19] =	ssyncset.done $0x0;
	s1 =	sand.u32 @!p1 $0xE7, s1  }
0x66: {  	s26 =	simm.s32 @!p1 $0x0;
	s0 =	sshll.u32 @!p1 s0, $0x9;
	s1 =	sshll.u32 @!p1 s1, $0xC  }
0x67: {  	[sflag:s19] =	ssyncadd.s32 $0xFFFFF000;
	s0 =	sadd.s32 @!p1 s3, s0;
	s1 =	sor.u32 @!p1 $0x186A0, s1  }
0x68: {  	[tilespmem:s1], [sflag:$0x1] =	stream.linear.gather @!p1 [hbm4b:s0+s26], $0x1000, $0x38;
	[tilespmem:$0x1F8A0] =	vst v63  }
0x69: {  	s26 =	smulhi.u32 $0xAAAAAAAB, s24;
	_ =	sdelay $0x1  }
0x6a: {  	s0 =	sshrl.u32 s26, $0x1  }
0x6b: {  	s0 =	smul.u32 $0xFFFF4000, s0  }
0x6c: {  	p2 =	slt.u32 @!p1 s24, $0x2  }
0x6d: {  	p1 =	por p1, !p2;
	s0 =	sshra.s32 s0, $0x2  }
0x6e: {  	_ =	swait.ge @p1 [sflag:s20], $0x2000;
	v2 =	vmov s0  }
0x6f: {  	[sflag:s20] =	ssyncset.done @p1 $0x0  }
0x70: {  	s1 =	sand.u32 $0xF0, s24;
	[sflag:s20] =	ssyncadd.s32 @p1 $0xFFFFE000  }
0x71: {  	v1 =	vld [tilespmem:s1+$0x1F6A0]  }
0x72: {  	v0 =	vld [tilespmem:s1+$0x1F7A0]  }
0x73: {  	v3 =	vld.idx.msk [tilespmem:v2+s25+$0x0 ss:$0x1], $0xffff  }
0x74: {  	v4 =	vld.idx.msk [tilespmem:v2+s25+$0xFFFFFFA0 ss:$0x1], $0xffff  }
0x75: {  	v5 =	vld.idx.msk [tilespmem:v2+s25+$0xFFFFFFB0 ss:$0x1], $0xffff  }
0x76: {  	v6 =	vld.idx.msk [tilespmem:v2+s25+$0xFFFFFFC0 ss:$0x1], $0xffff  }
0x77: {  	v7 =	vld.idx.msk [tilespmem:v2+s25+$0xFFFFFFD0 ss:$0x1], $0xffff  }
0x78: {  	v8 =	vld.idx.msk [tilespmem:v2+s25+$0xFFFFFFE0 ss:$0x1], $0xffff  }
0x79: {  	v9 =	vld.idx.msk [tilespmem:v2+s25+$0xFFFFFFF0 ss:$0x1], $0xffff  }
0x7a: {  	s31 =	sadd.s32 $0x80, s25;
	v10 =	vld.idx.msk [tilespmem:v2+s25+$0xFFFFFF90 ss:$0x1], $0xffff  }
0x7b: {  	v13 =	vld.idx.msk [tilespmem:v2+s31+$0x0 ss:$0x1], $0xffff  }
0x7c: {  	v3 =	vld.idx.msk [tilespmem:v3+s2+$0x0], $0xffff  }
0x7d: {  	v4 =	vld.idx.msk [tilespmem:v4+s2+$0x0], $0xffff  }
0x7e: {  	s26 =	sand.u32 $0xF, s24;
	v15 =	vld.idx.msk [tilespmem:v2+s31+$0xFFFFFFA0 ss:$0x1], $0xffff  }
0x7f: {  	v11 =	vmov s26;
	v5 =	vld.idx.msk [tilespmem:v5+s2+$0x0], $0xffff  }
0x80: {  	s0 =	simm.s32 $0x1;
	v0 =	vperm.xlane v0, v11;
	v6 =	vld.idx.msk [tilespmem:v6+s2+$0x0], $0xffff  }
0x81: {  	s0 =	simm.s32 @!p0 $0x0;
	v1 =	vperm.xlane v1, v11;
	v11 =	vld.idx.msk [tilespmem:v9+s2+$0x0], $0xffff;
	v9 =	vunpack.i.u.bf16.f32 v3  }
0x82: {  	s0 =	sshll.u32 s0, $0xD;
	v16 =	vld.idx.msk [tilespmem:v2+s31+$0xFFFFFFC0 ss:$0x1], $0xffff;
	v12 =	vunpack.i.l.bf16.f32 v4;
	v9 =	vadd.f32 v9, v0  }
0x83: {  	s26 =	sadd.s32 $0x1B720, s0;
	v10 =	vld.idx.msk [tilespmem:v10+s2+$0x0], $0xffff;
	v4 =	vunpack.i.u.bf16.f32 v4;
	v12 =	vadd.f32 v12, v1  }
0x84: {  	v62 =	vld.idx.msk [tilespmem:v2+s31+$0xFFFFFF90 ss:$0x1], $0xffff;
	v14 =	vunpack.i.l.bf16.f32 v5;
	v4 =	vadd.f32 v4, v0;
	[tilespmem:s26+$0x70] =	vst v9  }
0x85: {  	v7 =	vld.idx.msk [tilespmem:v7+s2+$0x0], $0xffff;
	v5 =	vunpack.i.u.bf16.f32 v5;
	[tilespmem:s26+$0xFFFFFF90] =	vst v12;
	v12 =	vadd.f32 v14, v1  }
0x86: {  	v9 =	vld.idx.msk [tilespmem:v2+s31+$0xFFFFFFB0 ss:$0x1], $0xffff;
	v14 =	vunpack.i.l.bf16.f32 v6;
	[tilespmem:s26+$0x10] =	vst v4;
	v4 =	vadd.f32 v5, v0  }
0x87: {  	v8 =	vld.idx.msk [tilespmem:v8+s2+$0x0], $0xffff;
	v5 =	vunpack.i.u.bf16.f32 v6;
	[tilespmem:s26+$0xFFFFFFA0] =	vst v12;
	v12 =	vadd.f32 v14, v1  }
0x88: {  	v17 =	vunpack.i.l.bf16.f32 v10;
	v6 =	vld.idx.msk [tilespmem:v2+s31+$0xFFFFFFD0 ss:$0x1], $0xffff;
	[tilespmem:s26+$0x20] =	vst v4;
	v4 =	vadd.f32 v5, v0  }
0x89: {  	v14 =	vld.idx.msk [tilespmem:v2+s31+$0xFFFFFFE0 ss:$0x1], $0xffff;
	v5 =	vunpack.i.u.bf16.f32 v10;
	v10 =	vadd.f32 v17, v1;
	[tilespmem:s26+$0xFFFFFFB0] =	vst v12  }
0x8a: {  	v18 =	vld.idx.msk [tilespmem:v2+s31+$0xFFFFFFF0 ss:$0x1], $0xffff;
	v5 =	vadd.f32 v5, v0;
	v12 =	vunpack.i.l.bf16.f32 v7;
	[tilespmem:s26+$0x30] =	vst v4  }
0x8b: {  	v4 =	vunpack.i.u.bf16.f32 v7;
	[tilespmem:s26+$0xFFFFFF80] =	vst v10;
	v7 =	vadd.f32 v12, v1;
	v12 =	vld.idx.msk [tilespmem:v13+s2+$0x0], $0xffff  }
0x8c: {  	v10 =	vunpack.i.l.bf16.f32 v8;
	v4 =	vadd.f32 v4, v0;
	v13 =	vld.idx.msk [tilespmem:v15+s2+$0x0], $0xffff;
	[tilespmem:s26+$0x0] =	vst v5  }
0x8d: {  	v5 =	vunpack.i.u.bf16.f32 v8;
	v8 =	vadd.f32 v10, v1;
	[tilespmem:s26+$0xFFFFFFC0] =	vst v7;
	v7 =	vld.idx.msk [tilespmem:v16+s2+$0x0], $0xffff  }
0x8e: {  	v10 =	vunpack.i.l.bf16.f32 v11;
	v15 =	vadd.f32 v5, v0;
	[tilespmem:s26+$0x40] =	vst v4;
	v9 =	vld.idx.msk [tilespmem:v9+s2+$0x0], $0xffff  }
0x8f: {  	v4 =	vunpack.i.u.bf16.f32 v11;
	v11 =	vadd.f32 v10, v1;
	[tilespmem:s26+$0xFFFFFFD0] =	vst v8;
	v8 =	vld.idx.msk [tilespmem:v62+s2+$0x0], $0xffff  }
0x90: {  	s1 =	sshll.u32 s24, $0xD;
	v3 =	vunpack.i.l.bf16.f32 v3;
	v6 =	vld.idx.msk [tilespmem:v6+s2+$0x0], $0xffff;
	v63 =	vadd.f32 v4, v0;
	[tilespmem:s26+$0x50] =	vst v15  }
0x91: {  	s28 =	sshll.u32 s24, $0xF;
	s0 =	sand.u32 $0x2000, s1;
	v10 =	vadd.f32 v3, v1;
	[tilespmem:s26+$0xFFFFFFE0] =	vst v11;
	v5 =	vld.idx.msk [tilespmem:v14+s2+$0x0], $0xffff;
	v14 =	vunpack.i.u.bf16.f32 v12;
	v3 =	vunpack.i.l.bf16.f32 v12  }
0x92: {  	s30 =	simm.s32 $0x8;
	s29 =	sadd.s32 $0x1B6A0, s0;
	s31 =	sadd.s32 $0x80, s31;
	v4 =	vld.idx.msk [tilespmem:v18+s2+$0x0], $0xffff;
	v11 =	vunpack.i.u.bf16.f32 v13;
	v13 =	vunpack.i.l.bf16.f32 v13;
	[tilespmem:s26+$0x60] =	vst v63;
	v12 =	vadd.f32 v14, v0  }
.LBB2_9:
0x93: {  	v14 =	vld.idx.msk [tilespmem:v2+s31+$0x0 ss:$0x1], $0xffff;
	s30 =	sadd.s32 $0x8, s30;
	v13 =	vadd.f32 v13, v1;
	v15 =	vunpack.i.u.bf16.f32 v9;
	v9 =	vunpack.i.l.bf16.f32 v9;
	[tilespmem:s26+$0xFFFFFFF0] =	vst v10;
	s26 =	sadd.s32 $0x100, s26  }
0x94: {  	v11 =	vadd.f32 v11, v0;
	v16 =	vunpack.i.u.bf16.f32 v7;
	v7 =	vunpack.i.l.bf16.f32 v7;
	v10 =	vld.idx.msk [tilespmem:v2+s31+$0xFFFFFFA0 ss:$0x1], $0xffff;
	p1 =	slt.u32 s30, $0xF8;
	[tilespmem:s26+$0x70] =	vst v12  }
0x95: {  	v9 =	vadd.f32 v9, v1;
	v12 =	vld.idx.msk [tilespmem:v2+s31+$0xFFFFFFB0 ss:$0x1], $0xffff;
	[tilespmem:s26+$0xFFFFFF90] =	vst v13;
	v13 =	vunpack.i.u.bf16.f32 v6;
	v6 =	vunpack.i.l.bf16.f32 v6  }
0x96: {  	v17 =	vld.idx.msk [tilespmem:v2+s31+$0xFFFFFFC0 ss:$0x1], $0xffff;
	[tilespmem:s26+$0x10] =	vst v11;
	v11 =	vadd.f32 v15, v0;
	v15 =	vunpack.i.u.bf16.f32 v5;
	v5 =	vunpack.i.l.bf16.f32 v5  }
0x97: {  	v7 =	vadd.f32 v7, v1;
	v18 =	vld.idx.msk [tilespmem:v2+s31+$0xFFFFFFD0 ss:$0x1], $0xffff;
	[tilespmem:s26+$0xFFFFFFA0] =	vst v9;
	v9 =	vunpack.i.u.bf16.f32 v4;
	v4 =	vunpack.i.l.bf16.f32 v4  }
0x98: {  	v20 =	vunpack.i.u.bf16.f32 v8;
	v8 =	vunpack.i.l.bf16.f32 v8;
	v19 =	vld.idx.msk [tilespmem:v2+s31+$0xFFFFFFE0 ss:$0x1], $0xffff;
	[tilespmem:s26+$0x20] =	vst v11;
	v11 =	vadd.f32 v16, v0  }
0x99: {  	v8 =	vadd.f32 v8, v1;
	v20 =	vadd.f32 v20, v0;
	v16 =	vld.idx.msk [tilespmem:v2+s31+$0xFFFFFFF0 ss:$0x1], $0xffff;
	[tilespmem:s26+$0xFFFFFFB0] =	vst v7  }
0x9a: {  	v6 =	vadd.f32 v6, v1;
	v21 =	vld.idx.msk [tilespmem:v2+s31+$0xFFFFFF90 ss:$0x1], $0xffff;
	[tilespmem:s26+$0x30] =	vst v11;
	v11 =	vadd.f32 v13, v0  }
0x9b: {  	v5 =	vadd.f32 v5, v1;
	v13 =	vld.idx.msk [tilespmem:v14+s2+$0x0], $0xffff;
	[tilespmem:s26+$0xFFFFFF80] =	vst v8;
	v8 =	vadd.f32 v15, v0  }
0x9c: {  	v15 =	vadd.f32 v4, v1;
	v14 =	vld.idx.msk [tilespmem:v10+s2+$0x0], $0xffff;
	[tilespmem:s26+$0x0] =	vst v20;
	v20 =	vadd.f32 v9, v0  }
0x9d: {  	v10 =	vadd.f32 v3, v1;
	v9 =	vld.idx.msk [tilespmem:v12+s2+$0x0], $0xffff;
	[tilespmem:s26+$0xFFFFFFC0] =	vst v6  }
.Ltmp3:
0x9e: {  	v7 =	vld.idx.msk [tilespmem:v17+s2+$0x0], $0xffff;
	[tilespmem:s26+$0x40] =	vst v11;
	(pc) =	sbr.rel @p1 .LBB2_9-.Ltmp3, $4  }
0x9f: {  	v6 =	vld.idx.msk [tilespmem:v18+s2+$0x0], $0xffff;
	[tilespmem:s26+$0xFFFFFFD0] =	vst v5  }
0xa0: {  	v5 =	vld.idx.msk [tilespmem:v19+s2+$0x0], $0xffff;
	[tilespmem:s26+$0x50] =	vst v8  }
0xa1: {  	v12 =	vunpack.i.u.bf16.f32 v13;
	v3 =	vunpack.i.l.bf16.f32 v13;
	v4 =	vld.idx.msk [tilespmem:v16+s2+$0x0], $0xffff;
	[tilespmem:s26+$0xFFFFFFE0] =	vst v15  }
0xa2: {  	s31 =	sadd.s32 $0x80, s31;
	v11 =	vunpack.i.u.bf16.f32 v14;
	v13 =	vunpack.i.l.bf16.f32 v14;
	v12 =	vadd.f32 v12, v0;
	v8 =	vld.idx.msk [tilespmem:v21+s2+$0x0], $0xffff;
	[tilespmem:s26+$0x60] =	vst v20  }
0xa3: {  	v2 =	vadd.f32 v13, v1;
	[tilespmem:s26+$0xFFFFFFF0] =	vst v10;
	s0 =	sadd.s32 $0x100, s26  }
0xa4: {  	v11 =	vadd.f32 v11, v0;
	[tilespmem:s0+$0x70] =	vst v12  }
0xa5: {  	v47 =	vunpack.i.l.bf16.f32 v9;
	v63 =	vadd.f32 v3, v1;
	[tilespmem:s0+$0xFFFFFF90] =	vst v2  }
0xa6: {  	v48 =	vunpack.i.u.bf16.f32 v9;
	v49 =	vadd.f32 v47, v1;
	[tilespmem:s0+$0x10] =	vst v11  }
0xa7: {  	v50 =	vunpack.i.l.bf16.f32 v7;
	v9 =	vadd.f32 v48, v0;
	[tilespmem:s0+$0xFFFFFFF0] =	vst v63  }
0xa8: {  	v51 =	vunpack.i.u.bf16.f32 v7;
	v52 =	vadd.f32 v50, v1;
	[tilespmem:s0+$0xFFFFFFA0] =	vst v49  }
0xa9: {  	v7 =	vadd.f32 v51, v0;
	v56 =	vunpack.i.l.bf16.f32 v6;
	[tilespmem:s0+$0x20] =	vst v9  }
0xaa: {  	v57 =	vunpack.i.u.bf16.f32 v6;
	v2 =	vadd.f32 v56, v1;
	[tilespmem:s0+$0xFFFFFFB0] =	vst v52  }
0xab: {  	v58 =	vunpack.i.l.bf16.f32 v5;
	v6 =	vadd.f32 v57, v0;
	[tilespmem:s0+$0x30] =	vst v7  }
0xac: {  	v59 =	vunpack.i.u.bf16.f32 v5;
	v7 =	vadd.f32 v58, v1;
	[tilespmem:s0+$0xFFFFFFC0] =	vst v2  }
0xad: {  	v60 =	vunpack.i.l.bf16.f32 v4;
	v5 =	vadd.f32 v59, v0;
	[tilespmem:s0+$0x40] =	vst v6  }
0xae: {  	s24 =	sadd.s32 $0x1, s24;
	v61 =	vunpack.i.u.bf16.f32 v4;
	v2 =	vadd.f32 v60, v1;
	[tilespmem:s0+$0xFFFFFFD0] =	vst v7  }
0xaf: {  	p1 =	sne.s32 s24, $0xC8;
	v53 =	vunpack.i.l.bf16.f32 v8;
	v62 =	vadd.f32 v61, v0;
	[tilespmem:s0+$0x50] =	vst v5  }
.Ltmp4:
0xb0: {  	v54 =	vunpack.i.u.bf16.f32 v8;
	v55 =	vadd.f32 v53, v1;
	[tilespmem:s0+$0xFFFFFFE0] =	vst v2;
	(pc) =	sbr.rel @p1 .LBB2_8-.Ltmp4, $4  }
0xb1: {  	v8 =	vadd.f32 v54, v0;
	[tilespmem:s0+$0x60] =	vst v62  }
0xb2: {  	[tilespmem:s0+$0xFFFFFF80] =	vst v55  }
0xb3: {  	s31 =	sadd.s32 s28, s12;
	p0 =	por !p0, !p0;
	s25 =	sadd.s32 $0x1000, s25;
	[tilespmem:s0+$0x0] =	vst v8  }
0xb4: {  	[hbm4b:s31+s21] =	stream.strided.scatter [tilespmem:s29], [sflag:$0x2], $0x2000, s22, s21, $0x38;
	[tilespmem:$0x1F8A0] =	vst v63  }
0xb5: {  	s23 =	sadd.s32 $0x1, s23  }
0xb6: {  	_ =	swait.ge [sflag:s20], $0x2000;
	p0 =	sne.s32 s23, s13  }
.Ltmp5:
0xb7: {  	[sflag:s20] =	ssyncset.done $0x0;
	(pc) =	sbr.rel @p0 .LBB2_1-.Ltmp5, $4  }
0xb8: {  	[sflag:s20] =	ssyncadd.s32 $0xFFFFE000  }
0xb9: {  	_ =	swait.ge [sflag:s20], $0x2000  }
0xba: {  	[sflag:s20] =	ssyncset.done $0x0  }
0xbb: {  	[sflag:s20] =	ssyncadd.s32 $0xFFFFE000  }
0xbc: {  	_ =	sfence.sel $0x180000  }
0xbd: {  	[bflag:$0x0] =	sbarrier.arrive $0xFFFF  }
0xbe: {  	_ =	strace $0x90000047  }
0xbf: {  	s0 =	stileid.u32;
	[bflag:$0x2] =	sbarrier.arrive $0xFFFF  }
0xc0: {  	p0 =	sne.s32 s0, $0x0;
	s0 =	rddreg [dreg:$0x2]  }
0xc1: {  	s0 =	sadd.s32 @!p0 $0x100000, s0  }
0xc2: {  	[sflag:s0] =	ssyncadd.tile.s32 @!p0 $0x1;
	_ =	shalt  }
.Lfunc_end2:
_tile_overlayer_lowered:
.L_overlay_start_2:
0xc3: {  	(tag) =	ssettag $0x2  }
0xc4: {  	s0 =	rddreg [dreg:$0x0];
	s2 =	stileid.u32  }
0xc5: {  	s1 =	rddreg [dreg:$0x1];
	p0 =	sne.s32 s2, $0x0  }
0xc6: {  	s3 =	rddreg [dreg:$0x2];
	[bflag:$0x3] =	sbarrier.arrive $0xFFFF;
	s2 =	simm.s32 @!p0 $0x1C03  }
0xc7: {  	[timem:s3], [sflag:s2] =	dma.local @!p0 [hbm:s0], s1  }
0xc8: {  	s0 =	simm.s32 @!p0 $0x3  }
0xc9: {  	_ =	swait.ge @!p0 [sflag:s0], s1  }
0xca: {  	s1 =	ssub.s32 @!p0 $0x0, s1;
	[sflag:s0] =	ssyncset.done @!p0 $0x0  }
0xcb: {  	[sflag:s0] =	ssyncadd.s32 @!p0 s1  }
0xcc: {  	[bflag:$0x3] =	sbarrier.arrive $0xFFFF  }
0xcd: {  	_ =	shalt  }

</sc_bundles>
